<compile_context>
chip_gen: v7x
topology: tpu7x:2x2x1
jax: 0.10.2.dev20260603
libtpu: 0.0.44.dev20260713+nightly
codegen_flags: <defaults>
</compile_context>

<pallas_src>
import functools

import jax
import jax.numpy as jnp
from jax import lax
from jax.experimental import pallas as pl
from jax.experimental.pallas import tpu as pltpu
from jax.experimental.pallas import tpu_sc as plsc



def _table_body(emb_ref, w_ref, b_ref, out_ref):
    h = jnp.dot(emb_ref[...], w_ref[...],
                preferred_element_type=jnp.float32) + b_ref[...]
    out_ref[...] = 0.5 * h * (1.0 + lax.erf(h * 0.7071067811865476))


def _build_table(emb_table, w, b2d):
    v, hdim = emb_table.shape
    return pl.pallas_call(
        _table_body,
        out_shape=jax.ShapeDtypeStruct((v, hdim), jnp.float32),
    )(emb_table, w, b2d)



def _make_gather(bsz, seq, V, D):
    info = plsc.get_sparse_core_info()
    nc, ns = info.num_cores, info.num_subcores
    nw = nc * ns
    assert bsz % (4 * nw) == 0 and seq > 2
    e_per_w = bsz // nw
    n_grp = e_per_w // 4
    smain = seq - 2

    mesh = plsc.VectorSubcoreMesh(core_axis_name="c", subcore_axis_name="s")

    @functools.partial(
        pl.kernel,
        mesh=mesh,
        out_type=jax.ShapeDtypeStruct((bsz, seq, D), jnp.float32),
        scratch_types=[
            pltpu.VMEM((e_per_w, seq), jnp.int32),
            pltpu.VMEM((seq, D), jnp.float32),
            pltpu.VMEM((seq, D), jnp.float32),
            pltpu.SemaphoreType.DMA,
            pltpu.SemaphoreType.DMA,
        ],
    )
    def gather(table_hbm, idx_hbm, out_hbm,
               idx_v, rows_a, rows_b, sem_a, sem_b):
        wid = lax.axis_index("s") * nc + lax.axis_index("c")
        base = wid * e_per_w
        pltpu.sync_copy(idx_hbm.at[pl.ds(base, e_per_w)], idx_v)

        def start(e, buf, sem):
            return pltpu.async_copy(table_hbm.at[idx_v.at[e]], buf, sem)

        def emit(e, buf):
            pltpu.sync_copy(buf.at[pl.ds(0, smain)],
                            out_hbm.at[base + e, pl.ds(0, smain)])

        start(0, rows_a, sem_a)

        def body(g, carry):
            e0 = 4 * g
            h = start(e0 + 1, rows_b, sem_b)
            pltpu.make_async_copy(table_hbm.at[idx_v.at[0]],
                                  rows_a, sem_a).wait()
            emit(e0, rows_a)
            h2 = start(e0 + 2, rows_a, sem_a)
            h.wait()
            emit(e0 + 1, rows_b)
            h3 = start(e0 + 3, rows_b, sem_b)
            h2.wait()
            emit(e0 + 2, rows_a)
            nxt = jnp.minimum(e0 + 4, e_per_w - 1)
            start(nxt, rows_a, sem_a)
            h3.wait()
            emit(e0 + 3, rows_b)
            return carry

        lax.fori_loop(0, n_grp, body, 0)
        pltpu.make_async_copy(table_hbm.at[idx_v.at[0]],
                              rows_a, sem_a).wait()

    return gather



def kernel(char_ids, emb_table, W_fe, b_fe):
    bsz, seq = char_ids.shape
    v, hdim = emb_table.shape
    table2 = _build_table(emb_table, W_fe, b_fe.reshape(1, hdim))
    gather = _make_gather(bsz, seq, v, hdim)
    ids32 = char_ids.astype(jnp.int32)
    out3d = gather(table2, ids32)
    tail3 = jnp.take(table2, ids32[:, seq - 2:], axis=0)
    return lax.dynamic_update_slice(out3d, tail3, (0, seq - 2, 0))

# --- scband reference (transcript-rebuilt; emitter-appended) ---
"""Pipeline reference for scband-bart-pho-character-processor-2731599200861 (READ-ONLY COPY).

The authoritative reference and input builder live on the scoring server;
editing this copy changes nothing except your own understanding.
"""

import jax, jax.numpy as jnp
import numpy as np

CHAR_VOCAB = 1000
HIDDEN = 768
BATCH = 1024
SEQ = 50


def setup_inputs(seed: int = 0) -> dict:
    key = jax.random.key(seed)
    k1, k2, k3 = jax.random.split(key, 3)
    char_ids = jax.random.randint(k1, (BATCH, SEQ), 0, CHAR_VOCAB, dtype=jnp.int64 if jax.config.jax_enable_x64 else jnp.int32)
    emb_table = jax.random.normal(k2, (CHAR_VOCAB, HIDDEN), dtype=jnp.float32) * 0.02
    emb_table = emb_table.at[0].set(0.0)  # padding_idx=0
    W_fe = jax.random.normal(k3, (HIDDEN, HIDDEN), dtype=jnp.float32) * (1.0 / np.sqrt(HIDDEN))
    b_fe = jnp.zeros((HIDDEN,), dtype=jnp.float32)
    return {"char_ids": char_ids, "emb_table": emb_table, "W_fe": W_fe, "b_fe": b_fe}


def reference(char_ids, emb_table, W_fe, b_fe):
    # nn.Embedding(char_vocab_size, hidden_size, padding_idx=0)
    char_embeds = jnp.take(emb_table, char_ids, axis=0)  # [B, L, H]
    # feature_extractor: Linear(H, H) -> GELU (torch default exact erf gelu)
    h = char_embeds @ W_fe + b_fe
    features = jax.nn.gelu(h, approximate=False)
    return features

if __name__ == "__main__":
    import jax
    _d = setup_inputs()
    print(jax.jit(kernel)(*tuple(_d.values())))

</pallas_src>

<mosaic_0001>
#map = affine_map<(d0, d1) -> (0, 0)>
#map1 = affine_map<(d0, d1) -> (0, 0, 0)>
module attributes {stable_mosaic.version = 14 : i64} {
  func.func @gather(%arg0: i32, %arg1: i32, %arg2: memref<1000x768xf32, #tpu.memory_space<hbm>>, %arg3: memref<1024x50xi32, #tpu.memory_space<hbm>>, %arg4: memref<1024x50x768xf32, #tpu.memory_space<hbm>>, %arg5: memref<32x50xi32, #tpu.memory_space<vmem>>, %arg6: memref<50x768xf32, #tpu.memory_space<vmem>>, %arg7: memref<50x768xf32, #tpu.memory_space<vmem>>, %arg8: memref<!tpu.dma_semaphore, #tpu.memory_space<semaphore_mem>>, %arg9: memref<!tpu.dma_semaphore, #tpu.memory_space<semaphore_mem>>) attributes {dimension_semantics = [#tpu.dimension_semantics<core_parallel>, #tpu.dimension_semantics<subcore_parallel>], iteration_bounds = array<i64: 2, 16>, scalar_prefetch = 0 : i64, scratch_operands = 5 : i64, tpu.core_type = #tpu.core_type<sc_vector_subcore>, window_params = [{transform_indices = #map}, {transform_indices = #map}, {transform_indices = #map1}]} {
    %mul3A = arith.constant 2 : i32
    %mul3A_0 = arith.muli %arg1, %mul3A : i32
    %add3A = arith.addi %mul3A_0, %arg0 : i32
    %mul3A_1 = arith.constant 32 : i32
    %mul3A_2 = arith.muli %add3A, %mul3A_1 : i32
    "tpu.region"() ({
      %run_scoped3A = tpu.sem_alloc : memref<!tpu.dma_semaphore, #tpu.memory_space<semaphore_mem>>
      %dma_start3A_20 = arith.constant 0 : i32
      %dma_start3A_21 = tpu.memref_slice %arg3[%mul3A_2, %dma_start3A_20] : memref<1024x50xi32, #tpu.memory_space<hbm>> -> memref<32x50xi32, #tpu.memory_space<hbm>>
      %dma_start3A_22 = arith.constant 0 : i32
      %dma_start3A_23 = tpu.memref_slice %arg3[%mul3A_2, %dma_start3A_22] : memref<1024x50xi32, #tpu.memory_space<hbm>> -> memref<32x50xi32, #tpu.memory_space<hbm>>
      tpu.enqueue_dma source(%dma_start3A_23 : memref<32x50xi32, #tpu.memory_space<hbm>>) target(%arg5 : memref<32x50xi32, #tpu.memory_space<vmem>>) target_semaphore(%run_scoped3A : memref<!tpu.dma_semaphore, #tpu.memory_space<semaphore_mem>>)
      %dma_wait3A_24 = arith.constant 0 : i32
      %dma_wait3A_25 = tpu.memref_slice %arg3[%mul3A_2, %dma_wait3A_24] : memref<1024x50xi32, #tpu.memory_space<hbm>> -> memref<32x50xi32, #tpu.memory_space<hbm>>
      %dma_wait3A_26 = arith.constant 0 : i32
      %dma_wait3A_27 = tpu.memref_slice %arg3[%mul3A_2, %dma_wait3A_26] : memref<1024x50xi32, #tpu.memory_space<hbm>> -> memref<32x50xi32, #tpu.memory_space<hbm>>
      tpu.wait_dma2 semaphore(%run_scoped3A : memref<!tpu.dma_semaphore, #tpu.memory_space<semaphore_mem>>) src(%dma_wait3A_27 : memref<32x50xi32, #tpu.memory_space<hbm>>) dst(%arg5 : memref<32x50xi32, #tpu.memory_space<vmem>>)
      tpu.yield
    }) : () -> ()
    %dma_start3A = arith.constant 0 : i32
    %dma_start3A_3 = arith.constant 0 : i32
    %dma_start3A_4 = tpu.memref_slice %arg5[%dma_start3A, %dma_start3A_3] : memref<32x50xi32, #tpu.memory_space<vmem>> -> memref<1x50xi32, #tpu.memory_space<vmem>>
    %dma_start3A_5 = tpu.memref_squeeze %dma_start3A_4 : memref<1x50xi32, #tpu.memory_space<vmem>> -> memref<50xi32, #tpu.memory_space<vmem>>
    %dma_start3A_6 = arith.constant 0 : i32
    %dma_start3A_7 = arith.constant 0 : i32
    %dma_start3A_8 = tpu.memref_slice %arg2[%dma_start3A_6, %dma_start3A_7] : memref<1000x768xf32, #tpu.memory_space<hbm>> -> memref<1000x768xf32, #tpu.memory_space<hbm>>
    tpu.enqueue_indirect_dma source(%dma_start3A_8 : memref<1000x768xf32, #tpu.memory_space<hbm>>) target(%arg6 : memref<50x768xf32, #tpu.memory_space<vmem>>) offsets(%dma_start3A_5 : memref<50xi32, #tpu.memory_space<vmem>>) semaphore(%arg8 : memref<!tpu.dma_semaphore, #tpu.memory_space<semaphore_mem>>)
    %scan3A = arith.constant 0 : i32
    %scan3A_9 = arith.constant 0 : i32
    %scan3A_10 = arith.constant 8 : i32
    %scan3A_11 = arith.addi %scan3A_9, %scan3A_10 : i32
    %scan3A_12 = arith.constant 1 : i32
    scf.for %scan3A_20 = %scan3A_9 to %scan3A_11 step %scan3A_12  : i32 {
      %mul3A_21 = arith.constant 4 : i32
      %mul3A_22 = arith.muli %mul3A_21, %scan3A_20 : i32
      %add3A_23 = arith.constant 1 : i32
      %add3A_24 = arith.addi %mul3A_22, %add3A_23 : i32
      %dma_start3A_25 = arith.constant 0 : i32
      %dma_start3A_26 = tpu.memref_slice %arg5[%add3A_24, %dma_start3A_25] : memref<32x50xi32, #tpu.memory_space<vmem>> -> memref<1x50xi32, #tpu.memory_space<vmem>>
      %dma_start3A_27 = tpu.memref_squeeze %dma_start3A_26 : memref<1x50xi32, #tpu.memory_space<vmem>> -> memref<50xi32, #tpu.memory_space<vmem>>
      %dma_start3A_28 = arith.constant 0 : i32
      %dma_start3A_29 = arith.constant 0 : i32
      %dma_start3A_30 = tpu.memref_slice %arg2[%dma_start3A_28, %dma_start3A_29] : memref<1000x768xf32, #tpu.memory_space<hbm>> -> memref<1000x768xf32, #tpu.memory_space<hbm>>
      tpu.enqueue_indirect_dma source(%dma_start3A_30 : memref<1000x768xf32, #tpu.memory_space<hbm>>) target(%arg7 : memref<50x768xf32, #tpu.memory_space<vmem>>) offsets(%dma_start3A_27 : memref<50xi32, #tpu.memory_space<vmem>>) semaphore(%arg9 : memref<!tpu.dma_semaphore, #tpu.memory_space<semaphore_mem>>)
      %dma_wait3A_31 = arith.constant 0 : i32
      %dma_wait3A_32 = arith.constant 0 : i32
      %dma_wait3A_33 = tpu.memref_slice %arg5[%dma_wait3A_31, %dma_wait3A_32] : memref<32x50xi32, #tpu.memory_space<vmem>> -> memref<1x50xi32, #tpu.memory_space<vmem>>
      %dma_wait3A_34 = tpu.memref_squeeze %dma_wait3A_33 : memref<1x50xi32, #tpu.memory_space<vmem>> -> memref<50xi32, #tpu.memory_space<vmem>>
      %dma_wait3A_35 = arith.constant 0 : i32
      %dma_wait3A_36 = arith.constant 0 : i32
      %dma_wait3A_37 = tpu.memref_slice %arg2[%dma_wait3A_35, %dma_wait3A_36] : memref<1000x768xf32, #tpu.memory_space<hbm>> -> memref<1000x768xf32, #tpu.memory_space<hbm>>
      tpu.wait_indirect_dma semaphore(%arg8 : memref<!tpu.dma_semaphore, #tpu.memory_space<semaphore_mem>>) src(%dma_wait3A_37 : memref<1000x768xf32, #tpu.memory_space<hbm>>) dst(%arg6 : memref<50x768xf32, #tpu.memory_space<vmem>>)
      %add3A_38 = arith.addi %mul3A_2, %mul3A_22 : i32
      "tpu.region"() ({
        %run_scoped3A = tpu.sem_alloc : memref<!tpu.dma_semaphore, #tpu.memory_space<semaphore_mem>>
        %dma_start3A_91 = arith.constant 0 : i32
        %dma_start3A_92 = arith.constant 0 : i32
        %dma_start3A_93 = tpu.memref_slice %arg6[%dma_start3A_91, %dma_start3A_92] : memref<50x768xf32, #tpu.memory_space<vmem>> -> memref<48x768xf32, #tpu.memory_space<vmem>>
        %dma_start3A_94 = arith.constant 0 : i32
        %dma_start3A_95 = arith.constant 0 : i32
        %dma_start3A_96 = tpu.memref_slice %arg4[%add3A_38, %dma_start3A_94, %dma_start3A_95] : memref<1024x50x768xf32, #tpu.memory_space<hbm>> -> memref<1x48x768xf32, #tpu.memory_space<hbm>>
        %dma_start3A_97 = tpu.memref_squeeze %dma_start3A_96 : memref<1x48x768xf32, #tpu.memory_space<hbm>> -> memref<48x768xf32, #tpu.memory_space<hbm>>
        %dma_start3A_98 = arith.constant 0 : i32
        %dma_start3A_99 = arith.constant 0 : i32
        %dma_start3A_100 = tpu.memref_slice %arg4[%add3A_38, %dma_start3A_98, %dma_start3A_99] : memref<1024x50x768xf32, #tpu.memory_space<hbm>> -> memref<1x48x768xf32, #tpu.memory_space<hbm>>
        %dma_start3A_101 = tpu.memref_squeeze %dma_start3A_100 : memref<1x48x768xf32, #tpu.memory_space<hbm>> -> memref<48x768xf32, #tpu.memory_space<hbm>>
        %dma_start3A_102 = arith.constant 0 : i32
        %dma_start3A_103 = arith.constant 0 : i32
        %dma_start3A_104 = tpu.memref_slice %arg6[%dma_start3A_102, %dma_start3A_103] : memref<50x768xf32, #tpu.memory_space<vmem>> -> memref<48x768xf32, #tpu.memory_space<vmem>>
        tpu.enqueue_dma source(%dma_start3A_104 : memref<48x768xf32, #tpu.memory_space<vmem>>) target(%dma_start3A_101 : memref<48x768xf32, #tpu.memory_space<hbm>>) target_semaphore(%run_scoped3A : memref<!tpu.dma_semaphore, #tpu.memory_space<semaphore_mem>>)
        %dma_wait3A_105 = arith.constant 0 : i32
        %dma_wait3A_106 = arith.constant 0 : i32
        %dma_wait3A_107 = tpu.memref_slice %arg6[%dma_wait3A_105, %dma_wait3A_106] : memref<50x768xf32, #tpu.memory_space<vmem>> -> memref<48x768xf32, #tpu.memory_space<vmem>>
        %dma_wait3A_108 = arith.constant 0 : i32
        %dma_wait3A_109 = arith.constant 0 : i32
        %dma_wait3A_110 = tpu.memref_slice %arg4[%add3A_38, %dma_wait3A_108, %dma_wait3A_109] : memref<1024x50x768xf32, #tpu.memory_space<hbm>> -> memref<1x48x768xf32, #tpu.memory_space<hbm>>
        %dma_wait3A_111 = tpu.memref_squeeze %dma_wait3A_110 : memref<1x48x768xf32, #tpu.memory_space<hbm>> -> memref<48x768xf32, #tpu.memory_space<hbm>>
        %dma_wait3A_112 = arith.constant 0 : i32
        %dma_wait3A_113 = arith.constant 0 : i32
        %dma_wait3A_114 = tpu.memref_slice %arg4[%add3A_38, %dma_wait3A_112, %dma_wait3A_113] : memref<1024x50x768xf32, #tpu.memory_space<hbm>> -> memref<1x48x768xf32, #tpu.memory_space<hbm>>
        %dma_wait3A_115 = tpu.memref_squeeze %dma_wait3A_114 : memref<1x48x768xf32, #tpu.memory_space<hbm>> -> memref<48x768xf32, #tpu.memory_space<hbm>>
        %dma_wait3A_116 = arith.constant 0 : i32
        %dma_wait3A_117 = arith.constant 0 : i32
        %dma_wait3A_118 = tpu.memref_slice %arg6[%dma_wait3A_116, %dma_wait3A_117] : memref<50x768xf32, #tpu.memory_space<vmem>> -> memref<48x768xf32, #tpu.memory_space<vmem>>
        tpu.wait_dma2 semaphore(%run_scoped3A : memref<!tpu.dma_semaphore, #tpu.memory_space<semaphore_mem>>) src(%dma_wait3A_118 : memref<48x768xf32, #tpu.memory_space<vmem>>) dst(%dma_wait3A_115 : memref<48x768xf32, #tpu.memory_space<hbm>>)
        tpu.yield
      }) : () -> ()
      %add3A_39 = arith.constant 2 : i32
      %add3A_40 = arith.addi %mul3A_22, %add3A_39 : i32
      %dma_start3A_41 = arith.constant 0 : i32
      %dma_start3A_42 = tpu.memref_slice %arg5[%add3A_40, %dma_start3A_41] : memref<32x50xi32, #tpu.memory_space<vmem>> -> memref<1x50xi32, #tpu.memory_space<vmem>>
      %dma_start3A_43 = tpu.memref_squeeze %dma_start3A_42 : memref<1x50xi32, #tpu.memory_space<vmem>> -> memref<50xi32, #tpu.memory_space<vmem>>
      %dma_start3A_44 = arith.constant 0 : i32
      %dma_start3A_45 = arith.constant 0 : i32
      %dma_start3A_46 = tpu.memref_slice %arg2[%dma_start3A_44, %dma_start3A_45] : memref<1000x768xf32, #tpu.memory_space<hbm>> -> memref<1000x768xf32, #tpu.memory_space<hbm>>
      tpu.enqueue_indirect_dma source(%dma_start3A_46 : memref<1000x768xf32, #tpu.memory_space<hbm>>) target(%arg6 : memref<50x768xf32, #tpu.memory_space<vmem>>) offsets(%dma_start3A_43 : memref<50xi32, #tpu.memory_space<vmem>>) semaphore(%arg8 : memref<!tpu.dma_semaphore, #tpu.memory_space<semaphore_mem>>)
      %dma_wait3A_47 = arith.constant 0 : i32
      %dma_wait3A_48 = tpu.memref_slice %arg5[%add3A_24, %dma_wait3A_47] : memref<32x50xi32, #tpu.memory_space<vmem>> -> memref<1x50xi32, #tpu.memory_space<vmem>>
      %dma_wait3A_49 = tpu.memref_squeeze %dma_wait3A_48 : memref<1x50xi32, #tpu.memory_space<vmem>> -> memref<50xi32, #tpu.memory_space<vmem>>
      %dma_wait3A_50 = arith.constant 0 : i32
      %dma_wait3A_51 = arith.constant 0 : i32
      %dma_wait3A_52 = tpu.memref_slice %arg2[%dma_wait3A_50, %dma_wait3A_51] : memref<1000x768xf32, #tpu.memory_space<hbm>> -> memref<1000x768xf32, #tpu.memory_space<hbm>>
      tpu.wait_indirect_dma semaphore(%arg9 : memref<!tpu.dma_semaphore, #tpu.memory_space<semaphore_mem>>) src(%dma_wait3A_52 : memref<1000x768xf32, #tpu.memory_space<hbm>>) dst(%arg7 : memref<50x768xf32, #tpu.memory_space<vmem>>)
      %add3A_53 = arith.constant 1 : i32
      %add3A_54 = arith.addi %mul3A_22, %add3A_53 : i32
      %add3A_55 = arith.addi %mul3A_2, %add3A_54 : i32
      "tpu.region"() ({
        %run_scoped3A = tpu.sem_alloc : memref<!tpu.dma_semaphore, #tpu.memory_space<semaphore_mem>>
        %dma_start3A_91 = arith.constant 0 : i32
        %dma_start3A_92 = arith.constant 0 : i32
        %dma_start3A_93 = tpu.memref_slice %arg7[%dma_start3A_91, %dma_start3A_92] : memref<50x768xf32, #tpu.memory_space<vmem>> -> memref<48x768xf32, #tpu.memory_space<vmem>>
        %dma_start3A_94 = arith.constant 0 : i32
        %dma_start3A_95 = arith.constant 0 : i32
        %dma_start3A_96 = tpu.memref_slice %arg4[%add3A_55, %dma_start3A_94, %dma_start3A_95] : memref<1024x50x768xf32, #tpu.memory_space<hbm>> -> memref<1x48x768xf32, #tpu.memory_space<hbm>>
        %dma_start3A_97 = tpu.memref_squeeze %dma_start3A_96 : memref<1x48x768xf32, #tpu.memory_space<hbm>> -> memref<48x768xf32, #tpu.memory_space<hbm>>
        %dma_start3A_98 = arith.constant 0 : i32
        %dma_start3A_99 = arith.constant 0 : i32
        %dma_start3A_100 = tpu.memref_slice %arg4[%add3A_55, %dma_start3A_98, %dma_start3A_99] : memref<1024x50x768xf32, #tpu.memory_space<hbm>> -> memref<1x48x768xf32, #tpu.memory_space<hbm>>
        %dma_start3A_101 = tpu.memref_squeeze %dma_start3A_100 : memref<1x48x768xf32, #tpu.memory_space<hbm>> -> memref<48x768xf32, #tpu.memory_space<hbm>>
        %dma_start3A_102 = arith.constant 0 : i32
        %dma_start3A_103 = arith.constant 0 : i32
        %dma_start3A_104 = tpu.memref_slice %arg7[%dma_start3A_102, %dma_start3A_103] : memref<50x768xf32, #tpu.memory_space<vmem>> -> memref<48x768xf32, #tpu.memory_space<vmem>>
        tpu.enqueue_dma source(%dma_start3A_104 : memref<48x768xf32, #tpu.memory_space<vmem>>) target(%dma_start3A_101 : memref<48x768xf32, #tpu.memory_space<hbm>>) target_semaphore(%run_scoped3A : memref<!tpu.dma_semaphore, #tpu.memory_space<semaphore_mem>>)
        %dma_wait3A_105 = arith.constant 0 : i32
        %dma_wait3A_106 = arith.constant 0 : i32
        %dma_wait3A_107 = tpu.memref_slice %arg7[%dma_wait3A_105, %dma_wait3A_106] : memref<50x768xf32, #tpu.memory_space<vmem>> -> memref<48x768xf32, #tpu.memory_space<vmem>>
        %dma_wait3A_108 = arith.constant 0 : i32
        %dma_wait3A_109 = arith.constant 0 : i32
        %dma_wait3A_110 = tpu.memref_slice %arg4[%add3A_55, %dma_wait3A_108, %dma_wait3A_109] : memref<1024x50x768xf32, #tpu.memory_space<hbm>> -> memref<1x48x768xf32, #tpu.memory_space<hbm>>
        %dma_wait3A_111 = tpu.memref_squeeze %dma_wait3A_110 : memref<1x48x768xf32, #tpu.memory_space<hbm>> -> memref<48x768xf32, #tpu.memory_space<hbm>>
        %dma_wait3A_112 = arith.constant 0 : i32
        %dma_wait3A_113 = arith.constant 0 : i32
        %dma_wait3A_114 = tpu.memref_slice %arg4[%add3A_55, %dma_wait3A_112, %dma_wait3A_113] : memref<1024x50x768xf32, #tpu.memory_space<hbm>> -> memref<1x48x768xf32, #tpu.memory_space<hbm>>
        %dma_wait3A_115 = tpu.memref_squeeze %dma_wait3A_114 : memref<1x48x768xf32, #tpu.memory_space<hbm>> -> memref<48x768xf32, #tpu.memory_space<hbm>>
        %dma_wait3A_116 = arith.constant 0 : i32
        %dma_wait3A_117 = arith.constant 0 : i32
        %dma_wait3A_118 = tpu.memref_slice %arg7[%dma_wait3A_116, %dma_wait3A_117] : memref<50x768xf32, #tpu.memory_space<vmem>> -> memref<48x768xf32, #tpu.memory_space<vmem>>
        tpu.wait_dma2 semaphore(%run_scoped3A : memref<!tpu.dma_semaphore, #tpu.memory_space<semaphore_mem>>) src(%dma_wait3A_118 : memref<48x768xf32, #tpu.memory_space<vmem>>) dst(%dma_wait3A_115 : memref<48x768xf32, #tpu.memory_space<hbm>>)
        tpu.yield
      }) : () -> ()
      %add3A_56 = arith.constant 3 : i32
      %add3A_57 = arith.addi %mul3A_22, %add3A_56 : i32
      %dma_start3A_58 = arith.constant 0 : i32
      %dma_start3A_59 = tpu.memref_slice %arg5[%add3A_57, %dma_start3A_58] : memref<32x50xi32, #tpu.memory_space<vmem>> -> memref<1x50xi32, #tpu.memory_space<vmem>>
      %dma_start3A_60 = tpu.memref_squeeze %dma_start3A_59 : memref<1x50xi32, #tpu.memory_space<vmem>> -> memref<50xi32, #tpu.memory_space<vmem>>
      %dma_start3A_61 = arith.constant 0 : i32
      %dma_start3A_62 = arith.constant 0 : i32
      %dma_start3A_63 = tpu.memref_slice %arg2[%dma_start3A_61, %dma_start3A_62] : memref<1000x768xf32, #tpu.memory_space<hbm>> -> memref<1000x768xf32, #tpu.memory_space<hbm>>
      tpu.enqueue_indirect_dma source(%dma_start3A_63 : memref<1000x768xf32, #tpu.memory_space<hbm>>) target(%arg7 : memref<50x768xf32, #tpu.memory_space<vmem>>) offsets(%dma_start3A_60 : memref<50xi32, #tpu.memory_space<vmem>>) semaphore(%arg9 : memref<!tpu.dma_semaphore, #tpu.memory_space<semaphore_mem>>)
      %dma_wait3A_64 = arith.constant 0 : i32
      %dma_wait3A_65 = tpu.memref_slice %arg5[%add3A_40, %dma_wait3A_64] : memref<32x50xi32, #tpu.memory_space<vmem>> -> memref<1x50xi32, #tpu.memory_space<vmem>>
      %dma_wait3A_66 = tpu.memref_squeeze %dma_wait3A_65 : memref<1x50xi32, #tpu.memory_space<vmem>> -> memref<50xi32, #tpu.memory_space<vmem>>
      %dma_wait3A_67 = arith.constant 0 : i32
      %dma_wait3A_68 = arith.constant 0 : i32
      %dma_wait3A_69 = tpu.memref_slice %arg2[%dma_wait3A_67, %dma_wait3A_68] : memref<1000x768xf32, #tpu.memory_space<hbm>> -> memref<1000x768xf32, #tpu.memory_space<hbm>>
      tpu.wait_indirect_dma semaphore(%arg8 : memref<!tpu.dma_semaphore, #tpu.memory_space<semaphore_mem>>) src(%dma_wait3A_69 : memref<1000x768xf32, #tpu.memory_space<hbm>>) dst(%arg6 : memref<50x768xf32, #tpu.memory_space<vmem>>)
      %add3A_70 = arith.constant 2 : i32
      %add3A_71 = arith.addi %mul3A_22, %add3A_70 : i32
      %add3A_72 = arith.addi %mul3A_2, %add3A_71 : i32
      "tpu.region"() ({
        %run_scoped3A = tpu.sem_alloc : memref<!tpu.dma_semaphore, #tpu.memory_space<semaphore_mem>>
        %dma_start3A_91 = arith.constant 0 : i32
        %dma_start3A_92 = arith.constant 0 : i32
        %dma_start3A_93 = tpu.memref_slice %arg6[%dma_start3A_91, %dma_start3A_92] : memref<50x768xf32, #tpu.memory_space<vmem>> -> memref<48x768xf32, #tpu.memory_space<vmem>>
        %dma_start3A_94 = arith.constant 0 : i32
        %dma_start3A_95 = arith.constant 0 : i32
        %dma_start3A_96 = tpu.memref_slice %arg4[%add3A_72, %dma_start3A_94, %dma_start3A_95] : memref<1024x50x768xf32, #tpu.memory_space<hbm>> -> memref<1x48x768xf32, #tpu.memory_space<hbm>>
        %dma_start3A_97 = tpu.memref_squeeze %dma_start3A_96 : memref<1x48x768xf32, #tpu.memory_space<hbm>> -> memref<48x768xf32, #tpu.memory_space<hbm>>
        %dma_start3A_98 = arith.constant 0 : i32
        %dma_start3A_99 = arith.constant 0 : i32
        %dma_start3A_100 = tpu.memref_slice %arg4[%add3A_72, %dma_start3A_98, %dma_start3A_99] : memref<1024x50x768xf32, #tpu.memory_space<hbm>> -> memref<1x48x768xf32, #tpu.memory_space<hbm>>
        %dma_start3A_101 = tpu.memref_squeeze %dma_start3A_100 : memref<1x48x768xf32, #tpu.memory_space<hbm>> -> memref<48x768xf32, #tpu.memory_space<hbm>>
        %dma_start3A_102 = arith.constant 0 : i32
        %dma_start3A_103 = arith.constant 0 : i32
        %dma_start3A_104 = tpu.memref_slice %arg6[%dma_start3A_102, %dma_start3A_103] : memref<50x768xf32, #tpu.memory_space<vmem>> -> memref<48x768xf32, #tpu.memory_space<vmem>>
        tpu.enqueue_dma source(%dma_start3A_104 : memref<48x768xf32, #tpu.memory_space<vmem>>) target(%dma_start3A_101 : memref<48x768xf32, #tpu.memory_space<hbm>>) target_semaphore(%run_scoped3A : memref<!tpu.dma_semaphore, #tpu.memory_space<semaphore_mem>>)
        %dma_wait3A_105 = arith.constant 0 : i32
        %dma_wait3A_106 = arith.constant 0 : i32
        %dma_wait3A_107 = tpu.memref_slice %arg6[%dma_wait3A_105, %dma_wait3A_106] : memref<50x768xf32, #tpu.memory_space<vmem>> -> memref<48x768xf32, #tpu.memory_space<vmem>>
        %dma_wait3A_108 = arith.constant 0 : i32
        %dma_wait3A_109 = arith.constant 0 : i32
        %dma_wait3A_110 = tpu.memref_slice %arg4[%add3A_72, %dma_wait3A_108, %dma_wait3A_109] : memref<1024x50x768xf32, #tpu.memory_space<hbm>> -> memref<1x48x768xf32, #tpu.memory_space<hbm>>
        %dma_wait3A_111 = tpu.memref_squeeze %dma_wait3A_110 : memref<1x48x768xf32, #tpu.memory_space<hbm>> -> memref<48x768xf32, #tpu.memory_space<hbm>>
        %dma_wait3A_112 = arith.constant 0 : i32
        %dma_wait3A_113 = arith.constant 0 : i32
        %dma_wait3A_114 = tpu.memref_slice %arg4[%add3A_72, %dma_wait3A_112, %dma_wait3A_113] : memref<1024x50x768xf32, #tpu.memory_space<hbm>> -> memref<1x48x768xf32, #tpu.memory_space<hbm>>
        %dma_wait3A_115 = tpu.memref_squeeze %dma_wait3A_114 : memref<1x48x768xf32, #tpu.memory_space<hbm>> -> memref<48x768xf32, #tpu.memory_space<hbm>>
        %dma_wait3A_116 = arith.constant 0 : i32
        %dma_wait3A_117 = arith.constant 0 : i32
        %dma_wait3A_118 = tpu.memref_slice %arg6[%dma_wait3A_116, %dma_wait3A_117] : memref<50x768xf32, #tpu.memory_space<vmem>> -> memref<48x768xf32, #tpu.memory_space<vmem>>
        tpu.wait_dma2 semaphore(%run_scoped3A : memref<!tpu.dma_semaphore, #tpu.memory_space<semaphore_mem>>) src(%dma_wait3A_118 : memref<48x768xf32, #tpu.memory_space<vmem>>) dst(%dma_wait3A_115 : memref<48x768xf32, #tpu.memory_space<hbm>>)
        tpu.yield
      }) : () -> ()
      %add3A_73 = arith.constant 4 : i32
      %add3A_74 = arith.addi %mul3A_22, %add3A_73 : i32
      %min3A = arith.constant 31 : i32
      %min3A_75 = arith.minsi %add3A_74, %min3A : i32
      %dma_start3A_76 = arith.constant 0 : i32
      %dma_start3A_77 = tpu.memref_slice %arg5[%min3A_75, %dma_start3A_76] : memref<32x50xi32, #tpu.memory_space<vmem>> -> memref<1x50xi32, #tpu.memory_space<vmem>>
      %dma_start3A_78 = tpu.memref_squeeze %dma_start3A_77 : memref<1x50xi32, #tpu.memory_space<vmem>> -> memref<50xi32, #tpu.memory_space<vmem>>
      %dma_start3A_79 = arith.constant 0 : i32
      %dma_start3A_80 = arith.constant 0 : i32
      %dma_start3A_81 = tpu.memref_slice %arg2[%dma_start3A_79, %dma_start3A_80] : memref<1000x768xf32, #tpu.memory_space<hbm>> -> memref<1000x768xf32, #tpu.memory_space<hbm>>
      tpu.enqueue_indirect_dma source(%dma_start3A_81 : memref<1000x768xf32, #tpu.memory_space<hbm>>) target(%arg6 : memref<50x768xf32, #tpu.memory_space<vmem>>) offsets(%dma_start3A_78 : memref<50xi32, #tpu.memory_space<vmem>>) semaphore(%arg8 : memref<!tpu.dma_semaphore, #tpu.memory_space<semaphore_mem>>)
      %dma_wait3A_82 = arith.constant 0 : i32
      %dma_wait3A_83 = tpu.memref_slice %arg5[%add3A_57, %dma_wait3A_82] : memref<32x50xi32, #tpu.memory_space<vmem>> -> memref<1x50xi32, #tpu.memory_space<vmem>>
      %dma_wait3A_84 = tpu.memref_squeeze %dma_wait3A_83 : memref<1x50xi32, #tpu.memory_space<vmem>> -> memref<50xi32, #tpu.memory_space<vmem>>
      %dma_wait3A_85 = arith.constant 0 : i32
      %dma_wait3A_86 = arith.constant 0 : i32
      %dma_wait3A_87 = tpu.memref_slice %arg2[%dma_wait3A_85, %dma_wait3A_86] : memref<1000x768xf32, #tpu.memory_space<hbm>> -> memref<1000x768xf32, #tpu.memory_space<hbm>>
      tpu.wait_indirect_dma semaphore(%arg9 : memref<!tpu.dma_semaphore, #tpu.memory_space<semaphore_mem>>) src(%dma_wait3A_87 : memref<1000x768xf32, #tpu.memory_space<hbm>>) dst(%arg7 : memref<50x768xf32, #tpu.memory_space<vmem>>)
      %add3A_88 = arith.constant 3 : i32
      %add3A_89 = arith.addi %mul3A_22, %add3A_88 : i32
      %add3A_90 = arith.addi %mul3A_2, %add3A_89 : i32
      "tpu.region"() ({
        %run_scoped3A = tpu.sem_alloc : memref<!tpu.dma_semaphore, #tpu.memory_space<semaphore_mem>>
        %dma_start3A_91 = arith.constant 0 : i32
        %dma_start3A_92 = arith.constant 0 : i32
        %dma_start3A_93 = tpu.memref_slice %arg7[%dma_start3A_91, %dma_start3A_92] : memref<50x768xf32, #tpu.memory_space<vmem>> -> memref<48x768xf32, #tpu.memory_space<vmem>>
        %dma_start3A_94 = arith.constant 0 : i32
        %dma_start3A_95 = arith.constant 0 : i32
        %dma_start3A_96 = tpu.memref_slice %arg4[%add3A_90, %dma_start3A_94, %dma_start3A_95] : memref<1024x50x768xf32, #tpu.memory_space<hbm>> -> memref<1x48x768xf32, #tpu.memory_space<hbm>>
        %dma_start3A_97 = tpu.memref_squeeze %dma_start3A_96 : memref<1x48x768xf32, #tpu.memory_space<hbm>> -> memref<48x768xf32, #tpu.memory_space<hbm>>
        %dma_start3A_98 = arith.constant 0 : i32
        %dma_start3A_99 = arith.constant 0 : i32
        %dma_start3A_100 = tpu.memref_slice %arg4[%add3A_90, %dma_start3A_98, %dma_start3A_99] : memref<1024x50x768xf32, #tpu.memory_space<hbm>> -> memref<1x48x768xf32, #tpu.memory_space<hbm>>
        %dma_start3A_101 = tpu.memref_squeeze %dma_start3A_100 : memref<1x48x768xf32, #tpu.memory_space<hbm>> -> memref<48x768xf32, #tpu.memory_space<hbm>>
        %dma_start3A_102 = arith.constant 0 : i32
        %dma_start3A_103 = arith.constant 0 : i32
        %dma_start3A_104 = tpu.memref_slice %arg7[%dma_start3A_102, %dma_start3A_103] : memref<50x768xf32, #tpu.memory_space<vmem>> -> memref<48x768xf32, #tpu.memory_space<vmem>>
        tpu.enqueue_dma source(%dma_start3A_104 : memref<48x768xf32, #tpu.memory_space<vmem>>) target(%dma_start3A_101 : memref<48x768xf32, #tpu.memory_space<hbm>>) target_semaphore(%run_scoped3A : memref<!tpu.dma_semaphore, #tpu.memory_space<semaphore_mem>>)
        %dma_wait3A_105 = arith.constant 0 : i32
        %dma_wait3A_106 = arith.constant 0 : i32
        %dma_wait3A_107 = tpu.memref_slice %arg7[%dma_wait3A_105, %dma_wait3A_106] : memref<50x768xf32, #tpu.memory_space<vmem>> -> memref<48x768xf32, #tpu.memory_space<vmem>>
        %dma_wait3A_108 = arith.constant 0 : i32
        %dma_wait3A_109 = arith.constant 0 : i32
        %dma_wait3A_110 = tpu.memref_slice %arg4[%add3A_90, %dma_wait3A_108, %dma_wait3A_109] : memref<1024x50x768xf32, #tpu.memory_space<hbm>> -> memref<1x48x768xf32, #tpu.memory_space<hbm>>
        %dma_wait3A_111 = tpu.memref_squeeze %dma_wait3A_110 : memref<1x48x768xf32, #tpu.memory_space<hbm>> -> memref<48x768xf32, #tpu.memory_space<hbm>>
        %dma_wait3A_112 = arith.constant 0 : i32
        %dma_wait3A_113 = arith.constant 0 : i32
        %dma_wait3A_114 = tpu.memref_slice %arg4[%add3A_90, %dma_wait3A_112, %dma_wait3A_113] : memref<1024x50x768xf32, #tpu.memory_space<hbm>> -> memref<1x48x768xf32, #tpu.memory_space<hbm>>
        %dma_wait3A_115 = tpu.memref_squeeze %dma_wait3A_114 : memref<1x48x768xf32, #tpu.memory_space<hbm>> -> memref<48x768xf32, #tpu.memory_space<hbm>>
        %dma_wait3A_116 = arith.constant 0 : i32
        %dma_wait3A_117 = arith.constant 0 : i32
        %dma_wait3A_118 = tpu.memref_slice %arg7[%dma_wait3A_116, %dma_wait3A_117] : memref<50x768xf32, #tpu.memory_space<vmem>> -> memref<48x768xf32, #tpu.memory_space<vmem>>
        tpu.wait_dma2 semaphore(%run_scoped3A : memref<!tpu.dma_semaphore, #tpu.memory_space<semaphore_mem>>) src(%dma_wait3A_118 : memref<48x768xf32, #tpu.memory_space<vmem>>) dst(%dma_wait3A_115 : memref<48x768xf32, #tpu.memory_space<hbm>>)
        tpu.yield
      }) : () -> ()
    }
    %scan3A_13 = arith.constant 8 : i32
    %dma_wait3A = arith.constant 0 : i32
    %dma_wait3A_14 = arith.constant 0 : i32
    %dma_wait3A_15 = tpu.memref_slice %arg5[%dma_wait3A, %dma_wait3A_14] : memref<32x50xi32, #tpu.memory_space<vmem>> -> memref<1x50xi32, #tpu.memory_space<vmem>>
    %dma_wait3A_16 = tpu.memref_squeeze %dma_wait3A_15 : memref<1x50xi32, #tpu.memory_space<vmem>> -> memref<50xi32, #tpu.memory_space<vmem>>
    %dma_wait3A_17 = arith.constant 0 : i32
    %dma_wait3A_18 = arith.constant 0 : i32
    %dma_wait3A_19 = tpu.memref_slice %arg2[%dma_wait3A_17, %dma_wait3A_18] : memref<1000x768xf32, #tpu.memory_space<hbm>> -> memref<1000x768xf32, #tpu.memory_space<hbm>>
    tpu.wait_indirect_dma semaphore(%arg8 : memref<!tpu.dma_semaphore, #tpu.memory_space<semaphore_mem>>) src(%dma_wait3A_19 : memref<1000x768xf32, #tpu.memory_space<hbm>>) dst(%arg6 : memref<50x768xf32, #tpu.memory_space<vmem>>)
    return
  }
}

module attributes {stable_mosaic.version = 14 : i64} {
  func.func @_table_body(%arg0: memref<1000x768xf32, #tpu.memory_space<vmem>>, %arg1: memref<768x768xf32, #tpu.memory_space<vmem>>, %arg2: memref<1x768xf32, #tpu.memory_space<vmem>>, %arg3: memref<1000x768xf32, #tpu.memory_space<vmem>>) attributes {dimension_semantics = [], scalar_prefetch = 0 : i64, scratch_operands = 0 : i64, tpu.core_type = #tpu.core_type<tc>} {
    %get3A = arith.constant 0 : index
    %get3A_0 = arith.constant 0 : index
    %get3A_1 = vector.load %arg0[%get3A, %get3A_0] : memref<1000x768xf32, #tpu.memory_space<vmem>>, vector<1000x768xf32>
    %get3A_2 = arith.constant 0 : index
    %get3A_3 = arith.constant 0 : index
    %get3A_4 = vector.load %arg1[%get3A_2, %get3A_3] : memref<768x768xf32, #tpu.memory_space<vmem>>, vector<768x768xf32>
    %dot_general3A = arith.constant dense<0.000000e+00> : vector<1000x768xf32>
    %dot_general3A_5 = tpu.matmul %get3A_1, %get3A_4, %dot_general3A {dimension_numbers = #tpu.dot_dimension_numbers<[1], [0], [0], [1], [0, 0, 1, 1], [], []>, transpose_lhs_hint = false} : vector<1000x768xf32>, vector<768x768xf32>, vector<1000x768xf32> -> vector<1000x768xf32>
    %get3A_6 = arith.constant 0 : index
    %get3A_7 = arith.constant 0 : index
    %get3A_8 = vector.load %arg2[%get3A_6, %get3A_7] : memref<1x768xf32, #tpu.memory_space<vmem>>, vector<1x768xf32>
    %add3A = vector.broadcast %get3A_8 : vector<1x768xf32> to vector<1000x768xf32>
    %add3A_9 = arith.addf %dot_general3A_5, %add3A : vector<1000x768xf32>
    %mul3A = arith.constant 5.000000e-01 : f32
    %mul3A_10 = vector.broadcast %mul3A : f32 to vector<1000x768xf32>
    %mul3A_11 = arith.mulf %mul3A_10, %add3A_9 : vector<1000x768xf32>
    %mul3A_12 = arith.constant 0.707106769 : f32
    %mul3A_13 = vector.broadcast %mul3A_12 : f32 to vector<1000x768xf32>
    %mul3A_14 = arith.mulf %add3A_9, %mul3A_13 : vector<1000x768xf32>
    %erf3A = math.erf %mul3A_14 : vector<1000x768xf32>
    %add3A_15 = arith.constant 1.000000e+00 : f32
    %add3A_16 = vector.broadcast %add3A_15 : f32 to vector<1000x768xf32>
    %add3A_17 = arith.addf %add3A_16, %erf3A : vector<1000x768xf32>
    %mul3A_18 = arith.mulf %mul3A_11, %add3A_17 : vector<1000x768xf32>
    %swap3A = arith.constant 0 : index
    %swap3A_19 = arith.constant 0 : index
    %swap3A_20 = vector.load %arg3[%swap3A, %swap3A_19] : memref<1000x768xf32, #tpu.memory_space<vmem>>, vector<1000x768xf32>
    tpu.vector_store %arg3[%swap3A, %swap3A_19], %mul3A_18 {strides = array<i32>} : memref<1000x768xf32, #tpu.memory_space<vmem>>, vector<1000x768xf32>,
    return
  }
}

</mosaic_0001>

<sc_bundles>
// kernel: kernel.4.cloned.1.call-start
scs
__scs_entry_jumppad:
0x0: {  	(pc) =	sbr.rel $0x88, $3  }
0x1: {  	(tag) =	ssettag $0x0;
	lr =	simm.s32 $0x1  }
0x2: {  	[smem:$0x3F9D] =	sst lr;
	_ =	strace $0xD0000000  }
0x3: {  	_ = 	snop  }
0x4: {  	_ = 	snop  }
0x5: {  	_ = 	snop  }
0x6: {  	_ = 	snop  }
0x7: {  	_ = 	snop  }
__scs_overlays_trampoline_lowered:
0x8: {  	[smem:$0x3FAC] =	sst s0  }
0x9: {  	[smem:$0x3FAD] =	sst s1  }
0xa: {  	[smem:$0x3FAE] =	sst s2  }
0xb: {  	[smem:$0x3FAF] =	sst s3  }
0xc: {  	[smem:$0x3FB0] =	sst s4  }
0xd: {  	[smem:$0x3FB1] =	sst s5  }
0xe: {  	[smem:$0x3FB2] =	sst s6  }
0xf: {  	[smem:$0x3FB3] =	sst s7  }
0x10: {  	[smem:$0x3FB4] =	sst s8  }
0x11: {  	[smem:$0x3FB5] =	sst s9;
	s0 =	simm.s32 @!p0 $0x0  }
0x12: {  	s1 =	sld [smem:$0x3F9B];
	s0 =	simm.s32 @p0 $0x1  }
0x13: {  	[smem:$0x3FB6] =	sst s0;
	s0 =	simm.s32 @!p1 $0x0  }
0x14: {  	s2 =	sld [smem:$0x3F9A];
	s0 =	simm.s32 @p1 $0x1  }
0x15: {  	[smem:$0x3FB7] =	sst s0;
	s0 =	simm.s32 @!p2 $0x0  }
0x16: {  	s3 =	sld [smem:$0x3FDB];
	s0 =	simm.s32 @p2 $0x1  }
0x17: {  	s4 =	simm.s32 $0x1BF5;
	[smem:$0x3FB9] =	sst s0  }
0x18: {  	s0 =	sld [smem:$0x3F9C];
	_ =	swait.ge [sflag:s4], $0x0  }
0x19: {  	s7 =	sld [smem:$0x3F9D]  }
0x1a: {  	s8 =	sadd.s32 $0xFFFFE003, lr  }
0x1b: {  	s9 =	sadd.s32 $0xFFFFFEF7, lr;
	s5 =	simm.s32 $0xFFFFFFFF;
	p2 =	slt.u32 s8, $0xFFFFF086  }
0x1c: {  	p1 =	slt.u32 s9, $0xF7A;
	s5 =	simm.s32 @!p2 $0x0  }
0x1d: {  	s5 =	simm.s32 @p1 $0x1;
	p0 =	seq.s32 s7, s2  }
0x1e: {  	s7 =	smul.u32 @!p0 $0xF7A, s2;
	p2 =	seq.s32 @!p0 s5, $0x0  }
0x1f: {  	s9 =	smul.u32 $0xF7A, s1;
	s8 =	simm.s32 @!p0 $0x1BF5;
	p2 =	por !p2, p0  }
0x20: {  	[sflag:s8] =	ssyncset.s32 @!p0 $0xFFFFF086;
	s6 =	sadd.s32 @!p0 s3, s7;
	s7 =	simm.s32 @!p0 $0x108  }
0x21: {  	s3 =	sadd.s32 s3, s9;
	s6 =	sadd.s32 @!p0 $0x88, s6;
	s7 =	simm.s32 @p2 $0x1082  }
0x22: {  	[simem:s7], [sflag:s8] =	dma.local @!p0 [hbm:s6], $0xF7A  }
0x23: {  	s9 =	sor.u32 $0xD0000000, s2;
	s6 =	simm.s32 $0x108;
	_ =	swait.ge @!p0 [sflag:s8], $0x0  }
0x24: {  	s3 =	sadd.s32 $0x88, s3;
	s6 =	simm.s32 @!p1 $0x1082;
	[sflag:s4] =	ssyncset.s32 $0xFFFFF086  }
0x25: {  	[simem:s6], [sflag:s4] =	dma.local [hbm:s3], $0xF7A  }
0x26: {  	[smem:$0x3F9D] =	sst s1;
	(tag) =	ssettag s2;
	_ =	strace s9  }
0x27: {  	s1 =	sld [smem:$0x3FAD]  }
0x28: {  	s2 =	sld [smem:$0x3FAE]  }
0x29: {  	s4 =	sld [smem:$0x3FB0]  }
0x2a: {  	p0 =	seq.s32 s5, $0x0;
	s5 =	sld [smem:$0x3FB1]  }
0x2b: {  	s6 =	sld [smem:$0x3FB2]  }
0x2c: {  	s7 =	sld [smem:$0x3FB3]  }
0x2d: {  	s3 =	simm.s32 $0x108;
	s8 =	sld [smem:$0x3FB4]  }
0x2e: {  	s3 =	simm.s32 @!p0 $0x1082;
	s9 =	sld [smem:$0x3FB5]  }
0x2f: {  	lr =	sadd.s32 s0, s3;
	s0 =	sld [smem:$0x3FAC]  }
0x30: {  	s3 =	sld [smem:$0x3FAF]  }
0x31: {  	[smem:$0x3FB8] =	sst s10  }
0x32: {  	s10 =	sld [smem:$0x3FB6];
	_ =	sdelay $0x3  }
0x33: {  	p0 =	seq.s32 s10, $0x1;
	s10 =	sld [smem:$0x3FB8];
	_ =	sdelay $0x3  }
0x34: {  	[smem:$0x3FB8] =	sst s10  }
0x35: {  	s10 =	sld [smem:$0x3FB7];
	_ =	sdelay $0x3  }
0x36: {  	p1 =	seq.s32 s10, $0x1;
	s10 =	sld [smem:$0x3FB8];
	_ =	sdelay $0x3  }
0x37: {  	[smem:$0x3FB8] =	sst s10  }
0x38: {  	s10 =	sld [smem:$0x3FB9]  }
0x39: {  	_ = 	snop;
	(pc) =	sbr.ind lr, $3  }
0x3a: {  	_ = 	snop  }
0x3b: {  	_ = 	snop  }
0x3c: {  	p2 =	seq.s32 s10, $0x1;
	s10 =	sld [smem:$0x3FB8]  }
0x3d: {  	_ =	shalt  }
0x3e: {  	_ =	shalt  }
0x3f: {  	_ =	shalt  }
0x40: {  	_ =	shalt  }
0x41: {  	_ =	shalt  }
0x42: {  	_ =	shalt  }
0x43: {  	_ =	shalt  }
0x44: {  	_ =	shalt  }
0x45: {  	_ =	shalt  }
0x46: {  	_ =	shalt  }
0x47: {  	_ =	shalt  }
0x48: {  	_ =	shalt  }
0x49: {  	_ =	shalt  }
0x4a: {  	_ =	shalt  }
0x4b: {  	_ =	shalt  }
0x4c: {  	_ =	shalt  }
0x4d: {  	_ =	shalt  }
0x4e: {  	_ =	shalt  }
0x4f: {  	_ =	shalt  }
0x50: {  	_ =	shalt  }
0x51: {  	_ =	shalt  }
0x52: {  	_ =	shalt  }
0x53: {  	_ =	shalt  }
0x54: {  	_ =	shalt  }
0x55: {  	_ =	shalt  }
0x56: {  	_ =	shalt  }
0x57: {  	_ =	shalt  }
0x58: {  	_ =	shalt  }
0x59: {  	_ =	shalt  }
0x5a: {  	_ =	shalt  }
0x5b: {  	_ =	shalt  }
0x5c: {  	_ =	shalt  }
0x5d: {  	_ =	shalt  }
0x5e: {  	_ =	shalt  }
0x5f: {  	_ =	shalt  }
0x60: {  	_ =	shalt  }
0x61: {  	_ =	shalt  }
0x62: {  	_ =	shalt  }
0x63: {  	_ =	shalt  }
0x64: {  	_ =	shalt  }
0x65: {  	_ =	shalt  }
0x66: {  	_ =	shalt  }
0x67: {  	_ =	shalt  }
0x68: {  	_ =	shalt  }
0x69: {  	_ =	shalt  }
0x6a: {  	_ =	shalt  }
0x6b: {  	_ =	shalt  }
0x6c: {  	_ =	shalt  }
0x6d: {  	_ =	shalt  }
0x6e: {  	_ =	shalt  }
0x6f: {  	_ =	shalt  }
0x70: {  	_ =	shalt  }
0x71: {  	_ =	shalt  }
0x72: {  	_ =	shalt  }
0x73: {  	_ =	shalt  }
0x74: {  	_ =	shalt  }
0x75: {  	_ =	shalt  }
0x76: {  	_ =	shalt  }
0x77: {  	_ =	shalt  }
0x78: {  	_ =	shalt  }
0x79: {  	_ =	shalt  }
0x7a: {  	_ =	shalt  }
0x7b: {  	_ =	shalt  }
0x7c: {  	_ =	shalt  }
0x7d: {  	_ =	shalt  }
0x7e: {  	_ =	shalt  }
0x7f: {  	_ =	shalt  }
0x80: {  	_ =	shalt  }
0x81: {  	_ =	shalt  }
0x82: {  	_ =	shalt  }
0x83: {  	_ =	shalt  }
0x84: {  	_ =	shalt  }
0x85: {  	_ =	shalt  }
0x86: {  	_ =	shalt  }
0x87: {  	_ =	shalt  }
.Lfunc_end0:
.L_simem_size_0:
called_computation.1_lowered:
.L_overlay_start_0:
0x88: {  	s2 =	sld [smem:$0x3FD9]  }
0x89: {  	s3 =	sld [smem:$0x3FFE];
	_ =	sdelay $0x1  }
0x8a: {  	s1 =	srdreg.scid  }
0x8b: {  	s0 =	sand.u32 $0x1, s1  }
0x8c: {  	s17 =	sshll.u32 s0, $0xA;
	s2 =	sadd.s32 s3, s2  }
0x8d: {  	s2 =	sadd.s32 s2, s17  }
0x8e: {  	[smem:$0x3FC4] =	sst s2  }
0x8f: {  	_ = 	snop  }
0x90: {  	s2 =	sld [smem:$0x3FD0];
	(tm) =	ssettm $0x1  }
0x91: {  	s18 =	sld [smem:$0x3FFB];
	_ =	sdelay $0x3  }
0x92: {  	_ =	strace s18  }
0x93: {  	s3 =	sld [smem:$0x3FFC];
	_ =	sdelay $0x3  }
0x94: {  	_ =	strace s3  }
0x95: {  	s3 =	sld [smem:$0x3FFD];
	_ =	sdelay $0x3  }
0x96: {  	_ =	strace s3  }
0x97: {  	_ =	strace $0x8FFFFFFF  }
0x98: {  	s19 =	sld [smem:$0x3FDB];
	_ =	sdelay $0x1  }
0x99: {  	s4 =	simm.s32 $_scs_section_size  }
0x9a: {  	s5 =	simm.s32 $_size__tile_overlayer_lowered;
	s6 =	simm.s32 $_tile_overlayer_lowered  }
0x9b: {  	s22 =	simm.s32 $0x1BFF;
	s21 =	sshll.u32 s6, $0x1;
	s3 =	sadd.s32 s4, s19  }
0x9c: {  	s7 =	simm.s32 $0x0;
	s20 =	sshll.u32 s5, $0x1;
	s5 =	sadd.s32 s21, s3  }
0x9d: {  	[timem:s7], [sflag:s22] =	dma.local [hbm:s5], s20  }
0x9e: {  	_ =	swait.ge [sflag:s22], s20  }
0x9f: {  	s4 =	ssub.s32 $0x0, s20;
	[sflag:s22] =	ssyncset.done $0x0  }
0xa0: {  	[sflag:s22] =	ssyncadd.s32 s4;
	_ =	sdelay $0x1  }
0xa1: {  	s23 =	simm.s32 $0x1B8B  }
0xa2: {  	_ =	swait.ge [sflag:s23], $0x1  }
0xa3: {  	[sflag:s23] =	ssyncset.done $0x0  }
0xa4: {  	s25 =	simm.s32 $0x1B8E;
	s24 =	sld [smem:$0x3FFE];
	[sflag:s23] =	ssyncadd.s32 $0xFFFFFFFF  }
0xa5: {  	s26 =	simm.s32 $execute0_lowered;
	[smem:$0x3FD2] =	sst s25  }
0xa6: {  	s5 =	sshll.u32 s26, $0x1;
	_ =	strace $0x80000046;
	[dreg:$0x1] =	wrdreg $0xFFFFFFFF  }
0xa7: {  	s28 =	simm.s32 $_size_execute0_lowered;
	s3 =	sadd.s32 s3, s5;
	[dreg:$0x0] =	wrdreg $0x0  }
0xa8: {  	s5 =	sshll.u32 s28, $0x1;
	[dreg:$0x2] =	wrdreg s3  }
0xa9: {  	[dreg:$0x3] =	wrdreg s5  }
0xaa: {  	[dreg:$0x4] =	wrdreg $0xC0  }
0xab: {  	_ =	task [dreg:s7], $0x5FFFF  }
0xac: {  	[dreg:$0x1] =	wrdreg $0xFFFFFFFF  }
0xad: {  	[dreg:$0x0] =	wrdreg $0x60  }
0xae: {  	[dreg:$0x2] =	wrdreg s2  }
0xaf: {  	[dreg:$0x3] =	wrdreg s24  }
0xb0: {  	[dreg:$0x4] =	wrdreg $0x9  }
0xb1: {  	_ =	task.clear_ibuf [dreg:s7], $0x5FFFF;
	_ =	strace $0x90000046  }
0xb2: {  	s29 =	simm.s32 $0x9;
	_ =	strace $0x80000048  }
0xb3: {  	_ =	swait.ge [sflag:s29], $0x1  }
0xb4: {  	[sflag:s29] =	ssyncadd.s32 $0xFFFFFFFF  }
0xb5: {  	_ =	strace $0x90000048  }
0xb6: {  	_ =	sfence  }
0xb7: {  	s30 =	sld [smem:$0x0];
	_ =	sdelay $0x2  }
0xb8: {  	s31 =	sshll.u32 s1, $0xD;
	s1 =	sshrl.u32 s1, $0x2  }
0xb9: {  	s3 =	sand.u32 $0x4000, s31;
	s1 =	sadd.s32 s1, s30  }
0xba: {  	s0 =	sor.u32 s3, s0;
	s1 =	sshll.u32 s1, $0x11  }
0xbb: {  	s0 =	sor.u32 s1, s0  }
0xbc: {  	s0 =	sadd.s32 $0x8F2B, s0  }
0xbd: {  	[sflag:s0] =	ssyncadd.remote.s32 $0x1  }
0xbe: {  	_ =	sfence.sel $0xFFFF  }
0xbf: {  	[dreg:$0x0] =	wrdreg $0xFFFFFFFF;
	(pc) =	sbr.abs _section_cstart, $3  }
0xc0: {  	[dreg:$0x1] =	wrdreg $0xFFFFFFFF  }
0xc1: {  	_ =	task.clear_ibuf [dreg:s7], $0x2FFFF;
	_ =	strace $0x9FFFFFFF  }
0xc2: {  	(tm) =	ssettm $0x7FFFFFFF  }
0xc3: {  	_ =	shalt  }
tec
execute0_lowered:
.L_overlay_start_1:
0x0: {  	(tag) =	ssettag $0x1  }
0x1: {  	s1 =	rddreg [dreg:$0x0]  }
0x2: {  	s0 =	rddreg [dreg:$0x1];
	s3 =	simm.s32 $0x0;
	s2 =	srdreg.scid  }
0x3: {  	s6 =	stileid.u32;
	s8 =	simm.s32 $0x3;
	s9 =	simm.s32 $0x1000  }
0x4: {  	s10 =	simm.s32 $0x2000;
	s11 =	simm.s32 $0x2800;
	s12 =	simm.s32 $0x3000  }
0x5: {  	s13 =	simm.s32 $0x3800;
	s14 =	simm.s32 $0x4000;
	s15 =	simm.s32 $0x4800  }
0x6: {  	s16 =	simm.s32 $0x5000;
	s17 =	simm.s32 $0x5800;
	s18 =	simm.s32 $0x6000  }
0x7: {  	s19 =	simm.s32 $0x6800;
	s20 =	simm.s32 $0x7000;
	s21 =	simm.s32 $0x7800  }
0x8: {  	s22 =	simm.s32 $0x8000;
	s23 =	simm.s32 $0x8800;
	s29 =	simm.s32 $0xA000  }
0x9: {  	s28 =	simm.s32 $0xB000;
	s31 =	simm.s32 $0xB800;
	s30 =	simm.s32 $0x0  }
0xa: {  	[smem:$0x7FF] =	sst s3;
	s2 =	sand.u32 $0x1, s2;
	s4 =	sshll.u32 s6, $0xA  }
0xb: {  	s6 =	smul.u32 $0x54000, s6;
	_ =	strace $0x80000047;
	s5 =	sshll.u32 s2, $0x9  }
0xc: {  	s24 =	ssub.s32 $0x2, s2;
	s2 =	smul.u32 $0x2A000, s2;
	s4 =	sor.u32 s5, s4  }
0xd: {  	s25 =	sshrl.u32 s24, $0x1;
	s5 =	sadd.s32 $0x100, s1;
	s4 =	sadd.s32 s4, s0  }
0xe: {  	s0 =	sadd.s32 s6, s0;
	s7 =	ssub.s32 s24, s25;
	s6 =	sadd.s32 $0x200, s1  }
0xf: {  	s24 =	simm.s32 $0x9000;
	s25 =	simm.s32 $0x1;
	s4 =	sadd.s32 $0x1000, s4  }
0x10: {  	v2 =	vlaneseq.u32;
	vm1 =	vcmask $0x2720;
	vm2 =	vcmask $0x700;
	s0 =	sadd.s32 s2, s0;
	s26 =	smax.u32 s7, $0x1;
	[dreg:$0x4] =	wrdreg s4  }
0x11: {  	vm0 =	vmmov $0xffff;
	v0 =	vand.u32 $0x7, v2;
	v1 =	vshrl.u32 v2, $0x3;
	s7 =	simm.s32 $0x1800;
	s0 =	sadd.s32 $0x5000, s0;
	[dreg:$0x5] =	wrdreg s26  }
0x12: {  	v2 =	vor.u32 $0x8, v2;
	vm1 =	vmor vm2, vm1;
	v1 =	vmul.u32 $0x8, v1;
	s26 =	simm.s32 $0xA800;
	[dreg:$0x3] =	wrdreg s0;
	s0 =	simm.s32 $0x9800  }
.LBB2_1:
0x13: {  	[dreg:$0x6] =	wrdreg s30  }
0x14: {  	s4 =	rddreg [dreg:$0x4]  }
0x15: {  	[tilespmem:s3], [sflag:$0x3] =	stream.linear.gather [hbm4b:s4+s3], $0x1000, $0x38;
	[tilespmem:$0x16000] =	vst v63  }
0x16: {  	_ =	swait.ge [sflag:s8], $0x1000  }
0x17: {  	[sflag:s8] =	ssyncset.done $0x0  }
0x18: {  	[sflag:s8] =	ssyncadd.s32 $0xFFFFF000  }
0x19: {  	v3 =	vld [tilespmem:$0x0];
	_ =	sdelay $0x4  }
0x1a: {  	v4 =	vshrl.u32 v3, $0x3  }
0x1b: {  	v4 =	vmul.u32 $0x30, v4  }
0x1c: {  	v3 =	vand.u32 $0x7, v3  }
0x1d: {  	v3 =	vor.u32 v3, v4  }
0x1e: {  	v4 =	vperm.xlane v3, v0;
	_ =	sdelay $0x1  }
0x1f: {  	v4 =	vadd.s32 v1, v4;
	_ =	sdelay $0x3  }
0x20: {  	v3 =	vperm.xlane v3, v2  }
0x21: {  	[tilespmem:s9], [sflag:$0x1] =	stream.indirect_vreg.gather [hbm4b:s1+s3], $0x80, v4, vm0, $0xb8;
	[tilespmem:$0x16000] =	vst v63  }
0x22: {  	v3 =	vadd.s32 v1, v3  }
0x23: {  	[tilespmem:s7], [sflag:$0x1] =	stream.indirect_vreg.gather [hbm4b:s5+s3], $0x80, v4, vm0, $0xb8;
	[tilespmem:$0x16000] =	vst v63  }
0x24: {  	_ = 	snop  }
0x25: {  	[tilespmem:s10], [sflag:$0x1] =	stream.indirect_vreg.gather [hbm4b:s6+s3], $0x80, v4, vm0, $0xb8;
	[tilespmem:$0x16000] =	vst v63  }
0x26: {  	_ = 	snop  }
0x27: {  	[tilespmem:s11], [sflag:$0x1] =	stream.indirect_vreg.gather [hbm4b:s1+s3], $0x80, v3, vm0, $0xb8;
	[tilespmem:$0x16000] =	vst v63  }
0x28: {  	_ = 	snop  }
0x29: {  	[tilespmem:s12], [sflag:$0x1] =	stream.indirect_vreg.gather [hbm4b:s5+s3], $0x80, v3, vm0, $0xb8;
	[tilespmem:$0x16000] =	vst v63  }
0x2a: {  	_ = 	snop  }
0x2b: {  	[tilespmem:s13], [sflag:$0x1] =	stream.indirect_vreg.gather [hbm4b:s6+s3], $0x80, v3, vm0, $0xb8;
	[tilespmem:$0x16000] =	vst v63  }
0x2c: {  	v3 =	vld [tilespmem:$0x10];
	_ =	sdelay $0x4  }
0x2d: {  	v61 =	vshrl.u32 v3, $0x3  }
0x2e: {  	v4 =	vmul.u32 $0x30, v61  }
0x2f: {  	v3 =	vand.u32 $0x7, v3  }
0x30: {  	v3 =	vor.u32 v3, v4  }
0x31: {  	v4 =	vperm.xlane v3, v0;
	_ =	sdelay $0x1  }
0x32: {  	v4 =	vadd.s32 v1, v4;
	_ =	sdelay $0x3  }
0x33: {  	v3 =	vperm.xlane v3, v2  }
0x34: {  	[tilespmem:s14], [sflag:$0x1] =	stream.indirect_vreg.gather [hbm4b:s1+s3], $0x80, v4, vm0, $0xb8;
	[tilespmem:$0x16000] =	vst v63  }
0x35: {  	v3 =	vadd.s32 v1, v3  }
0x36: {  	[tilespmem:s15], [sflag:$0x1] =	stream.indirect_vreg.gather [hbm4b:s5+s3], $0x80, v4, vm0, $0xb8;
	[tilespmem:$0x16000] =	vst v63  }
0x37: {  	_ = 	snop  }
0x38: {  	[tilespmem:s16], [sflag:$0x1] =	stream.indirect_vreg.gather [hbm4b:s6+s3], $0x80, v4, vm0, $0xb8;
	[tilespmem:$0x16000] =	vst v63  }
0x39: {  	_ = 	snop  }
0x3a: {  	[tilespmem:s17], [sflag:$0x1] =	stream.indirect_vreg.gather [hbm4b:s1+s3], $0x80, v3, vm0, $0xb8;
	[tilespmem:$0x16000] =	vst v63  }
0x3b: {  	_ = 	snop  }
0x3c: {  	[tilespmem:s18], [sflag:$0x1] =	stream.indirect_vreg.gather [hbm4b:s5+s3], $0x80, v3, vm0, $0xb8;
	[tilespmem:$0x16000] =	vst v63  }
0x3d: {  	_ = 	snop  }
0x3e: {  	[tilespmem:s19], [sflag:$0x1] =	stream.indirect_vreg.gather [hbm4b:s6+s3], $0x80, v3, vm0, $0xb8;
	[tilespmem:$0x16000] =	vst v63  }
0x3f: {  	v3 =	vld [tilespmem:$0x20];
	_ =	sdelay $0x4  }
0x40: {  	v62 =	vshrl.u32 v3, $0x3  }
0x41: {  	v4 =	vmul.u32 $0x30, v62  }
0x42: {  	v3 =	vand.u32 $0x7, v3  }
0x43: {  	v3 =	vor.u32 v3, v4  }
0x44: {  	v4 =	vperm.xlane v3, v0;
	_ =	sdelay $0x1  }
0x45: {  	v4 =	vadd.s32 v1, v4;
	_ =	sdelay $0x3  }
0x46: {  	v3 =	vperm.xlane v3, v2  }
0x47: {  	[tilespmem:s20], [sflag:$0x1] =	stream.indirect_vreg.gather [hbm4b:s1+s3], $0x80, v4, vm0, $0xb8;
	[tilespmem:$0x16000] =	vst v63  }
0x48: {  	v3 =	vadd.s32 v1, v3  }
0x49: {  	[tilespmem:s21], [sflag:$0x1] =	stream.indirect_vreg.gather [hbm4b:s5+s3], $0x80, v4, vm0, $0xb8;
	[tilespmem:$0x16000] =	vst v63  }
0x4a: {  	_ = 	snop  }
0x4b: {  	[tilespmem:s22], [sflag:$0x1] =	stream.indirect_vreg.gather [hbm4b:s6+s3], $0x80, v4, vm0, $0xb8;
	[tilespmem:$0x16000] =	vst v63  }
0x4c: {  	_ = 	snop  }
0x4d: {  	[tilespmem:s23], [sflag:$0x1] =	stream.indirect_vreg.gather [hbm4b:s1+s3], $0x80, v3, vm0, $0xb8;
	[tilespmem:$0x16000] =	vst v63  }
0x4e: {  	_ = 	snop  }
0x4f: {  	[tilespmem:s24], [sflag:$0x1] =	stream.indirect_vreg.gather [hbm4b:s5+s3], $0x80, v3, vm0, $0xb8;
	[tilespmem:$0x16000] =	vst v63  }
0x50: {  	_ = 	snop  }
0x51: {  	[tilespmem:s0], [sflag:$0x1] =	stream.indirect_vreg.gather [hbm4b:s6+s3], $0x80, v3, vm0, $0xb8;
	[tilespmem:$0x16000] =	vst v63  }
0x52: {  	v3 =	vld.msk [tilespmem:$0x30], $0x3;
	_ =	sdelay $0x4  }
0x53: {  	v63 =	vshrl.u32 v3, $0x3  }
0x54: {  	v4 =	vmul.u32 $0x30, v63  }
0x55: {  	v3 =	vand.u32 $0x7, v3  }
0x56: {  	v3 =	vor.u32 v3, v4  }
0x57: {  	v3 =	vperm.xlane v3, v0;
	_ =	sdelay $0x1  }
0x58: {  	v3 =	vadd.s32 v1, v3;
	_ =	sdelay $0x4  }
0x59: {  	[tilespmem:s29], [sflag:$0x1] =	stream.indirect_vreg.gather [hbm4b:s1+s3], $0x80, v3, vm1, $0xb8;
	[tilespmem:$0x16000] =	vst v63  }
0x5a: {  	_ = 	snop  }
0x5b: {  	[tilespmem:s26], [sflag:$0x1] =	stream.indirect_vreg.gather [hbm4b:s5+s3], $0x80, v3, vm1, $0xb8;
	[tilespmem:$0x16000] =	vst v63  }
0x5c: {  	_ = 	snop  }
0x5d: {  	[tilespmem:s28], [sflag:$0x1] =	stream.indirect_vreg.gather [hbm4b:s6+s3], $0x80, v3, vm1, $0xb8;
	[tilespmem:$0x16000] =	vst v63  }
0x5e: {  	s4 =	simm.s32 $0x0;
	s26 =	simm.s32 $0x100;
	s28 =	simm.s32 $0x0  }
.LBB2_2:
0x5f: {  	v3 =	vld [tilespmem:s26+$0xFFFFFF80];
	_ =	sdelay $0x4  }
0x60: {  	v4 =	vshrl.u32 v3, $0x3  }
0x61: {  	v4 =	vmul.u32 $0x30, v4  }
0x62: {  	v3 =	vand.u32 $0x7, v3  }
0x63: {  	v3 =	vor.u32 v3, v4  }
0x64: {  	v4 =	vperm.xlane v3, v0;
	_ =	sdelay $0x1  }
0x65: {  	v4 =	vadd.s32 v1, v4;
	_ =	sdelay $0x3  }
0x66: {  	v3 =	vperm.xlane v3, v2  }
0x67: {  	[tilespmem:s31], [sflag:$0x2] =	stream.indirect_vreg.gather [hbm4b:s1+s3], $0x80, v4, vm0, $0xb8;
	[tilespmem:$0x16000] =	vst v63  }
0x68: {  	s0 =	simm.s32 $0xC000;
	v3 =	vadd.s32 v1, v3  }
0x69: {  	[tilespmem:s0], [sflag:$0x2] =	stream.indirect_vreg.gather [hbm4b:s5+s3], $0x80, v4, vm0, $0xb8;
	[tilespmem:$0x16000] =	vst v63  }
0x6a: {  	s10 =	simm.s32 $0xC800  }
0x6b: {  	[tilespmem:s10], [sflag:$0x2] =	stream.indirect_vreg.gather [hbm4b:s6+s3], $0x80, v4, vm0, $0xb8;
	[tilespmem:$0x16000] =	vst v63  }
0x6c: {  	s11 =	simm.s32 $0xD000  }
0x6d: {  	[tilespmem:s11], [sflag:$0x2] =	stream.indirect_vreg.gather [hbm4b:s1+s3], $0x80, v3, vm0, $0xb8;
	[tilespmem:$0x16000] =	vst v63  }
0x6e: {  	s12 =	simm.s32 $0xD800  }
0x6f: {  	[tilespmem:s12], [sflag:$0x2] =	stream.indirect_vreg.gather [hbm4b:s5+s3], $0x80, v3, vm0, $0xb8;
	[tilespmem:$0x16000] =	vst v63  }
0x70: {  	s13 =	simm.s32 $0xE000  }
0x71: {  	[tilespmem:s13], [sflag:$0x2] =	stream.indirect_vreg.gather [hbm4b:s6+s3], $0x80, v3, vm0, $0xb8;
	[tilespmem:$0x16000] =	vst v63  }
0x72: {  	v3 =	vld [tilespmem:s26+$0xFFFFFF90];
	_ =	sdelay $0x4  }
0x73: {  	v49 =	vshrl.u32 v3, $0x3  }
0x74: {  	v4 =	vmul.u32 $0x30, v49  }
0x75: {  	v3 =	vand.u32 $0x7, v3  }
0x76: {  	v3 =	vor.u32 v3, v4  }
0x77: {  	v4 =	vperm.xlane v3, v0;
	_ =	sdelay $0x1  }
0x78: {  	v4 =	vadd.s32 v1, v4;
	_ =	sdelay $0x3  }
0x79: {  	s14 =	simm.s32 $0xE800;
	v3 =	vperm.xlane v3, v2  }
0x7a: {  	[tilespmem:s14], [sflag:$0x2] =	stream.indirect_vreg.gather [hbm4b:s1+s3], $0x80, v4, vm0, $0xb8;
	[tilespmem:$0x16000] =	vst v63  }
0x7b: {  	s15 =	simm.s32 $0xF000;
	v3 =	vadd.s32 v1, v3  }
0x7c: {  	[tilespmem:s15], [sflag:$0x2] =	stream.indirect_vreg.gather [hbm4b:s5+s3], $0x80, v4, vm0, $0xb8;
	[tilespmem:$0x16000] =	vst v63  }
0x7d: {  	s16 =	simm.s32 $0xF800  }
0x7e: {  	[tilespmem:s16], [sflag:$0x2] =	stream.indirect_vreg.gather [hbm4b:s6+s3], $0x80, v4, vm0, $0xb8;
	[tilespmem:$0x16000] =	vst v63  }
0x7f: {  	s17 =	simm.s32 $0x10000  }
0x80: {  	[tilespmem:s17], [sflag:$0x2] =	stream.indirect_vreg.gather [hbm4b:s1+s3], $0x80, v3, vm0, $0xb8;
	[tilespmem:$0x16000] =	vst v63  }
0x81: {  	s18 =	simm.s32 $0x10800  }
0x82: {  	[tilespmem:s18], [sflag:$0x2] =	stream.indirect_vreg.gather [hbm4b:s5+s3], $0x80, v3, vm0, $0xb8;
	[tilespmem:$0x16000] =	vst v63  }
0x83: {  	s19 =	simm.s32 $0x11000  }
0x84: {  	[tilespmem:s19], [sflag:$0x2] =	stream.indirect_vreg.gather [hbm4b:s6+s3], $0x80, v3, vm0, $0xb8;
	[tilespmem:$0x16000] =	vst v63  }
0x85: {  	v3 =	vld [tilespmem:s26+$0xFFFFFFA0];
	_ =	sdelay $0x4  }
0x86: {  	v50 =	vshrl.u32 v3, $0x3  }
0x87: {  	v4 =	vmul.u32 $0x30, v50  }
0x88: {  	v3 =	vand.u32 $0x7, v3  }
0x89: {  	v3 =	vor.u32 v3, v4  }
0x8a: {  	v4 =	vperm.xlane v3, v0;
	_ =	sdelay $0x1  }
0x8b: {  	v4 =	vadd.s32 v1, v4;
	_ =	sdelay $0x3  }
0x8c: {  	s20 =	simm.s32 $0x11800;
	v3 =	vperm.xlane v3, v2  }
0x8d: {  	[tilespmem:s20], [sflag:$0x2] =	stream.indirect_vreg.gather [hbm4b:s1+s3], $0x80, v4, vm0, $0xb8;
	[tilespmem:$0x16000] =	vst v63  }
0x8e: {  	s21 =	simm.s32 $0x12000;
	v3 =	vadd.s32 v1, v3  }
0x8f: {  	[tilespmem:s21], [sflag:$0x2] =	stream.indirect_vreg.gather [hbm4b:s5+s3], $0x80, v4, vm0, $0xb8;
	[tilespmem:$0x16000] =	vst v63  }
0x90: {  	s22 =	simm.s32 $0x12800  }
0x91: {  	[tilespmem:s22], [sflag:$0x2] =	stream.indirect_vreg.gather [hbm4b:s6+s3], $0x80, v4, vm0, $0xb8;
	[tilespmem:$0x16000] =	vst v63  }
0x92: {  	s23 =	simm.s32 $0x13000  }
0x93: {  	[tilespmem:s23], [sflag:$0x2] =	stream.indirect_vreg.gather [hbm4b:s1+s3], $0x80, v3, vm0, $0xb8;
	[tilespmem:$0x16000] =	vst v63  }
0x94: {  	s24 =	simm.s32 $0x13800  }
0x95: {  	[tilespmem:s24], [sflag:$0x2] =	stream.indirect_vreg.gather [hbm4b:s5+s3], $0x80, v3, vm0, $0xb8;
	[tilespmem:$0x16000] =	vst v63  }
0x96: {  	s30 =	simm.s32 $0x14000  }
0x97: {  	[tilespmem:s30], [sflag:$0x2] =	stream.indirect_vreg.gather [hbm4b:s6+s3], $0x80, v3, vm0, $0xb8;
	[tilespmem:$0x16000] =	vst v63  }
0x98: {  	v3 =	vld.msk [tilespmem:s26+$0xFFFFFFB0], $0x3;
	_ =	sdelay $0x4  }
0x99: {  	v51 =	vshrl.u32 v3, $0x3  }
0x9a: {  	v4 =	vmul.u32 $0x30, v51  }
0x9b: {  	v3 =	vand.u32 $0x7, v3  }
0x9c: {  	v3 =	vor.u32 v3, v4  }
0x9d: {  	v3 =	vperm.xlane v3, v0;
	_ =	sdelay $0x1  }
0x9e: {  	v3 =	vadd.s32 v1, v3;
	_ =	sdelay $0x3  }
0x9f: {  	s2 =	simm.s32 $0x14800  }
0xa0: {  	[tilespmem:s2], [sflag:$0x2] =	stream.indirect_vreg.gather [hbm4b:s1+s3], $0x80, v3, vm1, $0xb8;
	[tilespmem:$0x16000] =	vst v63  }
0xa1: {  	s7 =	simm.s32 $0x15000  }
0xa2: {  	[tilespmem:s7], [sflag:$0x2] =	stream.indirect_vreg.gather [hbm4b:s5+s3], $0x80, v3, vm1, $0xb8;
	[tilespmem:$0x16000] =	vst v63  }
0xa3: {  	s7 =	simm.s32 $0x15800  }
0xa4: {  	[tilespmem:s7], [sflag:$0x2] =	stream.indirect_vreg.gather [hbm4b:s6+s3], $0x80, v3, vm1, $0xb8;
	[tilespmem:$0x16000] =	vst v63  }
0xa5: {  	_ =	swait.ge [sflag:s25], $0x9600  }
0xa6: {  	s7 =	rddreg [dreg:$0x3];
	[sflag:s25] =	ssyncset.done $0x0  }
0xa7: {  	[sflag:s25] =	ssyncadd.s32 $0xFFFF6A00;
	s7 =	sadd.s32 s28, s7  }
0xa8: {  	[hbm4b:s7+s3] =	stream.linear.scatter [tilespmem:s9], [sflag:$0x3], $0x9000, $0x38;
	[tilespmem:$0x16000] =	vst v63  }
0xa9: {  	_ =	swait.ge [sflag:s8], $0x9000  }
0xaa: {  	[sflag:s8] =	ssyncset.done $0x0  }
0xab: {  	[sflag:s8] =	ssyncadd.s32 $0xFFFF7000  }
0xac: {  	v3 =	vld [tilespmem:s26+$0x0];
	_ =	sdelay $0x4  }
0xad: {  	v52 =	vshrl.u32 v3, $0x3  }
0xae: {  	v4 =	vmul.u32 $0x30, v52  }
0xaf: {  	v3 =	vand.u32 $0x7, v3  }
0xb0: {  	v3 =	vor.u32 v3, v4  }
0xb1: {  	v4 =	vperm.xlane v3, v0;
	_ =	sdelay $0x1  }
0xb2: {  	v4 =	vadd.s32 v1, v4;
	_ =	sdelay $0x3  }
0xb3: {  	v3 =	vperm.xlane v3, v2  }
0xb4: {  	[tilespmem:s9], [sflag:$0x1] =	stream.indirect_vreg.gather [hbm4b:s1+s3], $0x80, v4, vm0, $0xb8;
	[tilespmem:$0x16000] =	vst v63  }
0xb5: {  	v3 =	vadd.s32 v1, v3;
	s9 =	simm.s32 $0x1800  }
0xb6: {  	[tilespmem:s9], [sflag:$0x1] =	stream.indirect_vreg.gather [hbm4b:s5+s3], $0x80, v4, vm0, $0xb8;
	[tilespmem:$0x16000] =	vst v63  }
0xb7: {  	s9 =	simm.s32 $0x2000  }
0xb8: {  	[tilespmem:s9], [sflag:$0x1] =	stream.indirect_vreg.gather [hbm4b:s6+s3], $0x80, v4, vm0, $0xb8;
	[tilespmem:$0x16000] =	vst v63  }
0xb9: {  	s9 =	simm.s32 $0x2800  }
0xba: {  	[tilespmem:s9], [sflag:$0x1] =	stream.indirect_vreg.gather [hbm4b:s1+s3], $0x80, v3, vm0, $0xb8;
	[tilespmem:$0x16000] =	vst v63  }
0xbb: {  	s9 =	simm.s32 $0x3000  }
0xbc: {  	[tilespmem:s9], [sflag:$0x1] =	stream.indirect_vreg.gather [hbm4b:s5+s3], $0x80, v3, vm0, $0xb8;
	[tilespmem:$0x16000] =	vst v63  }
0xbd: {  	s9 =	simm.s32 $0x3800  }
0xbe: {  	[tilespmem:s9], [sflag:$0x1] =	stream.indirect_vreg.gather [hbm4b:s6+s3], $0x80, v3, vm0, $0xb8;
	[tilespmem:$0x16000] =	vst v63  }
0xbf: {  	v3 =	vld [tilespmem:s26+$0x10];
	_ =	sdelay $0x4  }
0xc0: {  	v53 =	vshrl.u32 v3, $0x3  }
0xc1: {  	v4 =	vmul.u32 $0x30, v53  }
0xc2: {  	v3 =	vand.u32 $0x7, v3  }
0xc3: {  	v3 =	vor.u32 v3, v4  }
0xc4: {  	v4 =	vperm.xlane v3, v0;
	_ =	sdelay $0x1  }
0xc5: {  	v4 =	vadd.s32 v1, v4;
	_ =	sdelay $0x3  }
0xc6: {  	s9 =	simm.s32 $0x4000;
	v3 =	vperm.xlane v3, v2  }
0xc7: {  	[tilespmem:s9], [sflag:$0x1] =	stream.indirect_vreg.gather [hbm4b:s1+s3], $0x80, v4, vm0, $0xb8;
	[tilespmem:$0x16000] =	vst v63  }
0xc8: {  	v3 =	vadd.s32 v1, v3;
	s9 =	simm.s32 $0x4800  }
0xc9: {  	[tilespmem:s9], [sflag:$0x1] =	stream.indirect_vreg.gather [hbm4b:s5+s3], $0x80, v4, vm0, $0xb8;
	[tilespmem:$0x16000] =	vst v63  }
0xca: {  	s9 =	simm.s32 $0x5000  }
0xcb: {  	[tilespmem:s9], [sflag:$0x1] =	stream.indirect_vreg.gather [hbm4b:s6+s3], $0x80, v4, vm0, $0xb8;
	[tilespmem:$0x16000] =	vst v63  }
0xcc: {  	s9 =	simm.s32 $0x5800  }
0xcd: {  	[tilespmem:s9], [sflag:$0x1] =	stream.indirect_vreg.gather [hbm4b:s1+s3], $0x80, v3, vm0, $0xb8;
	[tilespmem:$0x16000] =	vst v63  }
0xce: {  	s9 =	simm.s32 $0x6000  }
0xcf: {  	[tilespmem:s9], [sflag:$0x1] =	stream.indirect_vreg.gather [hbm4b:s5+s3], $0x80, v3, vm0, $0xb8;
	[tilespmem:$0x16000] =	vst v63  }
0xd0: {  	s9 =	simm.s32 $0x6800  }
0xd1: {  	[tilespmem:s9], [sflag:$0x1] =	stream.indirect_vreg.gather [hbm4b:s6+s3], $0x80, v3, vm0, $0xb8;
	[tilespmem:$0x16000] =	vst v63  }
0xd2: {  	v3 =	vld [tilespmem:s26+$0x20];
	_ =	sdelay $0x4  }
0xd3: {  	v54 =	vshrl.u32 v3, $0x3  }
0xd4: {  	v4 =	vmul.u32 $0x30, v54  }
0xd5: {  	v3 =	vand.u32 $0x7, v3  }
0xd6: {  	v3 =	vor.u32 v3, v4  }
0xd7: {  	v4 =	vperm.xlane v3, v0;
	_ =	sdelay $0x1  }
0xd8: {  	v4 =	vadd.s32 v1, v4;
	_ =	sdelay $0x3  }
0xd9: {  	s9 =	simm.s32 $0x7000;
	v3 =	vperm.xlane v3, v2  }
0xda: {  	[tilespmem:s9], [sflag:$0x1] =	stream.indirect_vreg.gather [hbm4b:s1+s3], $0x80, v4, vm0, $0xb8;
	[tilespmem:$0x16000] =	vst v63  }
0xdb: {  	v3 =	vadd.s32 v1, v3;
	s9 =	simm.s32 $0x7800  }
0xdc: {  	[tilespmem:s9], [sflag:$0x1] =	stream.indirect_vreg.gather [hbm4b:s5+s3], $0x80, v4, vm0, $0xb8;
	[tilespmem:$0x16000] =	vst v63  }
0xdd: {  	s9 =	simm.s32 $0x8000  }
0xde: {  	[tilespmem:s9], [sflag:$0x1] =	stream.indirect_vreg.gather [hbm4b:s6+s3], $0x80, v4, vm0, $0xb8;
	[tilespmem:$0x16000] =	vst v63  }
0xdf: {  	s9 =	simm.s32 $0x8800  }
0xe0: {  	[tilespmem:s9], [sflag:$0x1] =	stream.indirect_vreg.gather [hbm4b:s1+s3], $0x80, v3, vm0, $0xb8;
	[tilespmem:$0x16000] =	vst v63  }
0xe1: {  	s9 =	simm.s32 $0x9000  }
0xe2: {  	[tilespmem:s9], [sflag:$0x1] =	stream.indirect_vreg.gather [hbm4b:s5+s3], $0x80, v3, vm0, $0xb8;
	[tilespmem:$0x16000] =	vst v63  }
0xe3: {  	s9 =	simm.s32 $0x9800  }
0xe4: {  	[tilespmem:s9], [sflag:$0x1] =	stream.indirect_vreg.gather [hbm4b:s6+s3], $0x80, v3, vm0, $0xb8;
	[tilespmem:$0x16000] =	vst v63  }
0xe5: {  	v3 =	vld.msk [tilespmem:s26+$0x30], $0x3;
	_ =	sdelay $0x4  }
0xe6: {  	v55 =	vshrl.u32 v3, $0x3  }
0xe7: {  	v4 =	vmul.u32 $0x30, v55  }
0xe8: {  	v3 =	vand.u32 $0x7, v3  }
0xe9: {  	v3 =	vor.u32 v3, v4  }
0xea: {  	v3 =	vperm.xlane v3, v0;
	_ =	sdelay $0x1  }
0xeb: {  	v3 =	vadd.s32 v1, v3;
	_ =	sdelay $0x4  }
0xec: {  	[tilespmem:s29], [sflag:$0x1] =	stream.indirect_vreg.gather [hbm4b:s1+s3], $0x80, v3, vm1, $0xb8;
	[tilespmem:$0x16000] =	vst v63  }
0xed: {  	s9 =	simm.s32 $0xA800  }
0xee: {  	[tilespmem:s9], [sflag:$0x1] =	stream.indirect_vreg.gather [hbm4b:s5+s3], $0x80, v3, vm1, $0xb8;
	[tilespmem:$0x16000] =	vst v63  }
0xef: {  	s25 =	simm.s32 $0x2;
	s9 =	simm.s32 $0xB000  }
0xf0: {  	[tilespmem:s9], [sflag:$0x1] =	stream.indirect_vreg.gather [hbm4b:s6+s3], $0x80, v3, vm1, $0xb8;
	[tilespmem:$0x16000] =	vst v63  }
0xf1: {  	_ =	swait.ge [sflag:s25], $0x9600  }
0xf2: {  	[sflag:s25] =	ssyncset.done $0x0  }
0xf3: {  	s2 =	simm.s32 $0xB800;
	s29 =	sadd.s32 $0x1500, s7;
	[sflag:s25] =	ssyncadd.s32 $0xFFFF6A00  }
0xf4: {  	[hbm4b:s29+s3] =	stream.linear.scatter [tilespmem:s2], [sflag:$0x3], $0x9000, $0x38;
	[tilespmem:$0x16000] =	vst v63  }
0xf5: {  	_ =	swait.ge [sflag:s8], $0x9000  }
0xf6: {  	[sflag:s8] =	ssyncset.done $0x0  }
0xf7: {  	[sflag:s8] =	ssyncadd.s32 $0xFFFF7000  }
0xf8: {  	v3 =	vld [tilespmem:s26+$0x80];
	_ =	sdelay $0x4  }
0xf9: {  	v56 =	vshrl.u32 v3, $0x3  }
0xfa: {  	v4 =	vmul.u32 $0x30, v56  }
0xfb: {  	v3 =	vand.u32 $0x7, v3  }
0xfc: {  	v3 =	vor.u32 v3, v4  }
0xfd: {  	v4 =	vperm.xlane v3, v0;
	_ =	sdelay $0x1  }
0xfe: {  	v4 =	vadd.s32 v1, v4;
	_ =	sdelay $0x3  }
0xff: {  	v3 =	vperm.xlane v3, v2  }
0x100: {  	[tilespmem:s2], [sflag:$0x2] =	stream.indirect_vreg.gather [hbm4b:s1+s3], $0x80, v4, vm0, $0xb8;
	[tilespmem:$0x16000] =	vst v63  }
0x101: {  	v3 =	vadd.s32 v1, v3  }
0x102: {  	[tilespmem:s0], [sflag:$0x2] =	stream.indirect_vreg.gather [hbm4b:s5+s3], $0x80, v4, vm0, $0xb8;
	[tilespmem:$0x16000] =	vst v63  }
0x103: {  	_ = 	snop  }
0x104: {  	[tilespmem:s10], [sflag:$0x2] =	stream.indirect_vreg.gather [hbm4b:s6+s3], $0x80, v4, vm0, $0xb8;
	[tilespmem:$0x16000] =	vst v63  }
0x105: {  	_ = 	snop  }
0x106: {  	[tilespmem:s11], [sflag:$0x2] =	stream.indirect_vreg.gather [hbm4b:s1+s3], $0x80, v3, vm0, $0xb8;
	[tilespmem:$0x16000] =	vst v63  }
0x107: {  	_ = 	snop  }
0x108: {  	[tilespmem:s12], [sflag:$0x2] =	stream.indirect_vreg.gather [hbm4b:s5+s3], $0x80, v3, vm0, $0xb8;
	[tilespmem:$0x16000] =	vst v63  }
0x109: {  	_ = 	snop  }
0x10a: {  	[tilespmem:s13], [sflag:$0x2] =	stream.indirect_vreg.gather [hbm4b:s6+s3], $0x80, v3, vm0, $0xb8;
	[tilespmem:$0x16000] =	vst v63  }
0x10b: {  	v3 =	vld [tilespmem:s26+$0x90];
	_ =	sdelay $0x4  }
0x10c: {  	v57 =	vshrl.u32 v3, $0x3  }
0x10d: {  	v4 =	vmul.u32 $0x30, v57  }
0x10e: {  	v3 =	vand.u32 $0x7, v3  }
0x10f: {  	v3 =	vor.u32 v3, v4  }
0x110: {  	v4 =	vperm.xlane v3, v0;
	_ =	sdelay $0x1  }
0x111: {  	v4 =	vadd.s32 v1, v4;
	_ =	sdelay $0x3  }
0x112: {  	v3 =	vperm.xlane v3, v2  }
0x113: {  	[tilespmem:s14], [sflag:$0x2] =	stream.indirect_vreg.gather [hbm4b:s1+s3], $0x80, v4, vm0, $0xb8;
	[tilespmem:$0x16000] =	vst v63  }
0x114: {  	v3 =	vadd.s32 v1, v3  }
0x115: {  	[tilespmem:s15], [sflag:$0x2] =	stream.indirect_vreg.gather [hbm4b:s5+s3], $0x80, v4, vm0, $0xb8;
	[tilespmem:$0x16000] =	vst v63  }
0x116: {  	_ = 	snop  }
0x117: {  	[tilespmem:s16], [sflag:$0x2] =	stream.indirect_vreg.gather [hbm4b:s6+s3], $0x80, v4, vm0, $0xb8;
	[tilespmem:$0x16000] =	vst v63  }
0x118: {  	_ = 	snop  }
0x119: {  	[tilespmem:s17], [sflag:$0x2] =	stream.indirect_vreg.gather [hbm4b:s1+s3], $0x80, v3, vm0, $0xb8;
	[tilespmem:$0x16000] =	vst v63  }
0x11a: {  	_ = 	snop  }
0x11b: {  	[tilespmem:s18], [sflag:$0x2] =	stream.indirect_vreg.gather [hbm4b:s5+s3], $0x80, v3, vm0, $0xb8;
	[tilespmem:$0x16000] =	vst v63  }
0x11c: {  	_ = 	snop  }
0x11d: {  	[tilespmem:s19], [sflag:$0x2] =	stream.indirect_vreg.gather [hbm4b:s6+s3], $0x80, v3, vm0, $0xb8;
	[tilespmem:$0x16000] =	vst v63  }
0x11e: {  	v3 =	vld [tilespmem:s26+$0xA0];
	_ =	sdelay $0x4  }
0x11f: {  	v58 =	vshrl.u32 v3, $0x3  }
0x120: {  	v4 =	vmul.u32 $0x30, v58  }
0x121: {  	v3 =	vand.u32 $0x7, v3  }
0x122: {  	v3 =	vor.u32 v3, v4  }
0x123: {  	v4 =	vperm.xlane v3, v0;
	_ =	sdelay $0x1  }
0x124: {  	v4 =	vadd.s32 v1, v4;
	_ =	sdelay $0x3  }
0x125: {  	v3 =	vperm.xlane v3, v2  }
0x126: {  	[tilespmem:s20], [sflag:$0x2] =	stream.indirect_vreg.gather [hbm4b:s1+s3], $0x80, v4, vm0, $0xb8;
	[tilespmem:$0x16000] =	vst v63  }
0x127: {  	v3 =	vadd.s32 v1, v3  }
0x128: {  	[tilespmem:s21], [sflag:$0x2] =	stream.indirect_vreg.gather [hbm4b:s5+s3], $0x80, v4, vm0, $0xb8;
	[tilespmem:$0x16000] =	vst v63  }
0x129: {  	_ = 	snop  }
0x12a: {  	[tilespmem:s22], [sflag:$0x2] =	stream.indirect_vreg.gather [hbm4b:s6+s3], $0x80, v4, vm0, $0xb8;
	[tilespmem:$0x16000] =	vst v63  }
0x12b: {  	_ = 	snop  }
0x12c: {  	[tilespmem:s23], [sflag:$0x2] =	stream.indirect_vreg.gather [hbm4b:s1+s3], $0x80, v3, vm0, $0xb8;
	[tilespmem:$0x16000] =	vst v63  }
0x12d: {  	_ = 	snop  }
0x12e: {  	[tilespmem:s24], [sflag:$0x2] =	stream.indirect_vreg.gather [hbm4b:s5+s3], $0x80, v3, vm0, $0xb8;
	[tilespmem:$0x16000] =	vst v63  }
0x12f: {  	_ = 	snop  }
0x130: {  	[tilespmem:s30], [sflag:$0x2] =	stream.indirect_vreg.gather [hbm4b:s6+s3], $0x80, v3, vm0, $0xb8;
	[tilespmem:$0x16000] =	vst v63  }
0x131: {  	v3 =	vld.msk [tilespmem:s26+$0xB0], $0x3;
	_ =	sdelay $0x4  }
0x132: {  	v59 =	vshrl.u32 v3, $0x3  }
0x133: {  	v4 =	vmul.u32 $0x30, v59  }
0x134: {  	v3 =	vand.u32 $0x7, v3  }
0x135: {  	v3 =	vor.u32 v3, v4  }
0x136: {  	v3 =	vperm.xlane v3, v0;
	_ =	sdelay $0x1  }
0x137: {  	v3 =	vadd.s32 v1, v3;
	_ =	sdelay $0x3  }
0x138: {  	s20 =	simm.s32 $0x14800  }
0x139: {  	[tilespmem:s20], [sflag:$0x2] =	stream.indirect_vreg.gather [hbm4b:s1+s3], $0x80, v3, vm1, $0xb8;
	[tilespmem:$0x16000] =	vst v63  }
0x13a: {  	s21 =	simm.s32 $0x15000  }
0x13b: {  	[tilespmem:s21], [sflag:$0x2] =	stream.indirect_vreg.gather [hbm4b:s5+s3], $0x80, v3, vm1, $0xb8;
	[tilespmem:$0x16000] =	vst v63  }
0x13c: {  	s25 =	simm.s32 $0x1;
	s22 =	simm.s32 $0x15800  }
0x13d: {  	[tilespmem:s22], [sflag:$0x2] =	stream.indirect_vreg.gather [hbm4b:s6+s3], $0x80, v3, vm1, $0xb8;
	[tilespmem:$0x16000] =	vst v63  }
0x13e: {  	_ =	swait.ge [sflag:s25], $0x9600  }
0x13f: {  	[sflag:s25] =	ssyncset.done $0x0  }
0x140: {  	s31 =	simm.s32 $0x1000;
	s29 =	sadd.s32 $0x2A00, s7;
	[sflag:s25] =	ssyncadd.s32 $0xFFFF6A00  }
0x141: {  	[hbm4b:s29+s3] =	stream.linear.scatter [tilespmem:s31], [sflag:$0x3], $0x9000, $0x38;
	[tilespmem:$0x16000] =	vst v63  }
0x142: {  	_ =	swait.ge [sflag:s8], $0x9000  }
0x143: {  	s29 =	smin.u32 s4, $0x1B;
	[sflag:s8] =	ssyncset.done $0x0  }
0x144: {  	s29 =	sshll.u32 s29, $0x7;
	[sflag:s8] =	ssyncadd.s32 $0xFFFF7000  }
0x145: {  	v3 =	vld [tilespmem:s29+$0x200];
	_ =	sdelay $0x4  }
0x146: {  	v60 =	vshrl.u32 v3, $0x3  }
0x147: {  	v4 =	vmul.u32 $0x30, v60  }
0x148: {  	v3 =	vand.u32 $0x7, v3  }
0x149: {  	v3 =	vor.u32 v3, v4  }
0x14a: {  	v4 =	vperm.xlane v3, v0;
	_ =	sdelay $0x1  }
0x14b: {  	v4 =	vadd.s32 v1, v4;
	_ =	sdelay $0x3  }
0x14c: {  	v3 =	vperm.xlane v3, v2  }
0x14d: {  	[tilespmem:s31], [sflag:$0x1] =	stream.indirect_vreg.gather [hbm4b:s1+s3], $0x80, v4, vm0, $0xb8;
	[tilespmem:$0x16000] =	vst v63  }
0x14e: {  	s23 =	simm.s32 $0x1800;
	v3 =	vadd.s32 v1, v3  }
0x14f: {  	[tilespmem:s23], [sflag:$0x1] =	stream.indirect_vreg.gather [hbm4b:s5+s3], $0x80, v4, vm0, $0xb8;
	[tilespmem:$0x16000] =	vst v63  }
0x150: {  	s24 =	simm.s32 $0x2000  }
0x151: {  	[tilespmem:s24], [sflag:$0x1] =	stream.indirect_vreg.gather [hbm4b:s6+s3], $0x80, v4, vm0, $0xb8;
	[tilespmem:$0x16000] =	vst v63  }
0x152: {  	s30 =	simm.s32 $0x2800  }
0x153: {  	[tilespmem:s30], [sflag:$0x1] =	stream.indirect_vreg.gather [hbm4b:s1+s3], $0x80, v3, vm0, $0xb8;
	[tilespmem:$0x16000] =	vst v63  }
0x154: {  	s10 =	simm.s32 $0x3000  }
0x155: {  	[tilespmem:s10], [sflag:$0x1] =	stream.indirect_vreg.gather [hbm4b:s5+s3], $0x80, v3, vm0, $0xb8;
	[tilespmem:$0x16000] =	vst v63  }
0x156: {  	s11 =	simm.s32 $0x3800  }
0x157: {  	[tilespmem:s11], [sflag:$0x1] =	stream.indirect_vreg.gather [hbm4b:s6+s3], $0x80, v3, vm0, $0xb8;
	[tilespmem:$0x16000] =	vst v63  }
0x158: {  	v3 =	vld [tilespmem:s29+$0x210];
	_ =	sdelay $0x4  }
0x159: {  	v61 =	vshrl.u32 v3, $0x3  }
0x15a: {  	v4 =	vmul.u32 $0x30, v61  }
0x15b: {  	v3 =	vand.u32 $0x7, v3  }
0x15c: {  	v3 =	vor.u32 v3, v4  }
0x15d: {  	v4 =	vperm.xlane v3, v0;
	_ =	sdelay $0x1  }
0x15e: {  	v4 =	vadd.s32 v1, v4;
	_ =	sdelay $0x3  }
0x15f: {  	s12 =	simm.s32 $0x4000;
	v3 =	vperm.xlane v3, v2  }
0x160: {  	[tilespmem:s12], [sflag:$0x1] =	stream.indirect_vreg.gather [hbm4b:s1+s3], $0x80, v4, vm0, $0xb8;
	[tilespmem:$0x16000] =	vst v63  }
0x161: {  	s13 =	simm.s32 $0x4800;
	v3 =	vadd.s32 v1, v3  }
0x162: {  	[tilespmem:s13], [sflag:$0x1] =	stream.indirect_vreg.gather [hbm4b:s5+s3], $0x80, v4, vm0, $0xb8;
	[tilespmem:$0x16000] =	vst v63  }
0x163: {  	s14 =	simm.s32 $0x5000  }
0x164: {  	[tilespmem:s14], [sflag:$0x1] =	stream.indirect_vreg.gather [hbm4b:s6+s3], $0x80, v4, vm0, $0xb8;
	[tilespmem:$0x16000] =	vst v63  }
0x165: {  	s15 =	simm.s32 $0x5800  }
0x166: {  	[tilespmem:s15], [sflag:$0x1] =	stream.indirect_vreg.gather [hbm4b:s1+s3], $0x80, v3, vm0, $0xb8;
	[tilespmem:$0x16000] =	vst v63  }
0x167: {  	s16 =	simm.s32 $0x6000  }
0x168: {  	[tilespmem:s16], [sflag:$0x1] =	stream.indirect_vreg.gather [hbm4b:s5+s3], $0x80, v3, vm0, $0xb8;
	[tilespmem:$0x16000] =	vst v63  }
0x169: {  	s17 =	simm.s32 $0x6800  }
0x16a: {  	[tilespmem:s17], [sflag:$0x1] =	stream.indirect_vreg.gather [hbm4b:s6+s3], $0x80, v3, vm0, $0xb8;
	[tilespmem:$0x16000] =	vst v63  }
0x16b: {  	v3 =	vld [tilespmem:s29+$0x220];
	_ =	sdelay $0x4  }
0x16c: {  	v62 =	vshrl.u32 v3, $0x3  }
0x16d: {  	v4 =	vmul.u32 $0x30, v62  }
0x16e: {  	v3 =	vand.u32 $0x7, v3  }
0x16f: {  	v3 =	vor.u32 v3, v4  }
0x170: {  	v4 =	vperm.xlane v3, v0;
	_ =	sdelay $0x1  }
0x171: {  	v4 =	vadd.s32 v1, v4;
	_ =	sdelay $0x3  }
0x172: {  	s18 =	simm.s32 $0x7000;
	v3 =	vperm.xlane v3, v2  }
0x173: {  	[tilespmem:s18], [sflag:$0x1] =	stream.indirect_vreg.gather [hbm4b:s1+s3], $0x80, v4, vm0, $0xb8;
	[tilespmem:$0x16000] =	vst v63  }
0x174: {  	s19 =	simm.s32 $0x7800;
	v3 =	vadd.s32 v1, v3  }
0x175: {  	[tilespmem:s19], [sflag:$0x1] =	stream.indirect_vreg.gather [hbm4b:s5+s3], $0x80, v4, vm0, $0xb8;
	[tilespmem:$0x16000] =	vst v63  }
0x176: {  	s20 =	simm.s32 $0x8000  }
0x177: {  	[tilespmem:s20], [sflag:$0x1] =	stream.indirect_vreg.gather [hbm4b:s6+s3], $0x80, v4, vm0, $0xb8;
	[tilespmem:$0x16000] =	vst v63  }
0x178: {  	s21 =	simm.s32 $0x8800  }
0x179: {  	[tilespmem:s21], [sflag:$0x1] =	stream.indirect_vreg.gather [hbm4b:s1+s3], $0x80, v3, vm0, $0xb8;
	[tilespmem:$0x16000] =	vst v63  }
0x17a: {  	s22 =	simm.s32 $0x9000  }
0x17b: {  	[tilespmem:s22], [sflag:$0x1] =	stream.indirect_vreg.gather [hbm4b:s5+s3], $0x80, v3, vm0, $0xb8;
	[tilespmem:$0x16000] =	vst v63  }
0x17c: {  	s23 =	simm.s32 $0x9800  }
0x17d: {  	[tilespmem:s23], [sflag:$0x1] =	stream.indirect_vreg.gather [hbm4b:s6+s3], $0x80, v3, vm0, $0xb8;
	[tilespmem:$0x16000] =	vst v63  }
0x17e: {  	v3 =	vld.msk [tilespmem:s29+$0x230], $0x3;
	_ =	sdelay $0x4  }
0x17f: {  	v63 =	vshrl.u32 v3, $0x3  }
0x180: {  	v4 =	vmul.u32 $0x30, v63  }
0x181: {  	v3 =	vand.u32 $0x7, v3  }
0x182: {  	v3 =	vor.u32 v3, v4  }
0x183: {  	v3 =	vperm.xlane v3, v0;
	_ =	sdelay $0x1  }
0x184: {  	v3 =	vadd.s32 v1, v3;
	_ =	sdelay $0x3  }
0x185: {  	s29 =	simm.s32 $0xA000  }
0x186: {  	[tilespmem:s29], [sflag:$0x1] =	stream.indirect_vreg.gather [hbm4b:s1+s3], $0x80, v3, vm1, $0xb8;
	[tilespmem:$0x16000] =	vst v63  }
0x187: {  	s24 =	simm.s32 $0xA800  }
0x188: {  	[tilespmem:s24], [sflag:$0x1] =	stream.indirect_vreg.gather [hbm4b:s5+s3], $0x80, v3, vm1, $0xb8;
	[tilespmem:$0x16000] =	vst v63  }
0x189: {  	s2 =	simm.s32 $0x2;
	s30 =	simm.s32 $0xB000  }
0x18a: {  	[tilespmem:s30], [sflag:$0x1] =	stream.indirect_vreg.gather [hbm4b:s6+s3], $0x80, v3, vm1, $0xb8;
	[tilespmem:$0x16000] =	vst v63  }
0x18b: {  	_ =	swait.ge [sflag:s2], $0x9600  }
0x18c: {  	p0 =	sne.s32 s28, $0x24C00;
	s7 =	sadd.s32 $0x3F00, s7;
	[sflag:s2] =	ssyncset.done $0x0  }
.Ltmp0:
0x18d: {  	s31 =	simm.s32 $0xB800;
	[sflag:s2] =	ssyncadd.s32 $0xFFFF6A00;
	(pc) =	sbr.rel @p0 .LBB2_2-.Ltmp0, $4  }
0x18e: {  	[hbm4b:s7+s3] =	stream.linear.scatter [tilespmem:s31], [sflag:$0x3], $0x9000, $0x38;
	[tilespmem:$0x16000] =	vst v63  }
0x18f: {  	_ =	swait.ge [sflag:s8], $0x9000  }
0x190: {  	s28 =	sadd.s32 $0x5400, s28;
	s9 =	simm.s32 $0x1000;
	[sflag:s8] =	ssyncset.done $0x0  }
0x191: {  	s26 =	sadd.s32 $0x200, s26;
	s4 =	sadd.s32 $0x4, s4;
	[sflag:s8] =	ssyncadd.s32 $0xFFFF7000  }
0x192: {  	_ =	swait.ge [sflag:s25], $0x9600;
	s7 =	simm.s32 $0x1800;
	s10 =	simm.s32 $0x2000  }
0x193: {  	s11 =	simm.s32 $0x2800;
	s12 =	simm.s32 $0x3000;
	s30 =	rddreg [dreg:$0x6]  }
0x194: {  	s13 =	simm.s32 $0x3800;
	s4 =	rddreg [dreg:$0x5];
	s30 =	sadd.s32 $0x1, s30  }
0x195: {  	s14 =	simm.s32 $0x4000;
	s15 =	simm.s32 $0x4800;
	p0 =	sne.s32 s30, s4  }
.Ltmp1:
0x196: {  	s16 =	simm.s32 $0x5000;
	s17 =	simm.s32 $0x5800;
	(pc) =	sbr.rel @p0 .LBB2_1-.Ltmp1, $4  }
0x197: {  	s18 =	simm.s32 $0x6000;
	s19 =	simm.s32 $0x6800;
	s20 =	simm.s32 $0x7000  }
0x198: {  	s21 =	simm.s32 $0x7800;
	s22 =	simm.s32 $0x8000;
	s23 =	simm.s32 $0x8800  }
0x199: {  	s24 =	simm.s32 $0x9000;
	s0 =	simm.s32 $0x9800;
	[sflag:s25] =	ssyncset.done $0x0  }
0x19a: {  	s26 =	simm.s32 $0xA800;
	s28 =	simm.s32 $0xB000;
	[sflag:s25] =	ssyncadd.s32 $0xFFFF6A00  }
0x19b: {  	_ =	sfence.sel $0x180000  }
0x19c: {  	[bflag:$0x0] =	sbarrier.arrive $0xFFFF  }
0x19d: {  	_ =	strace $0x90000047  }
0x19e: {  	s0 =	stileid.u32;
	[bflag:$0x2] =	sbarrier.arrive $0xFFFF  }
0x19f: {  	p0 =	sne.s32 s0, $0x0;
	s0 =	rddreg [dreg:$0x2]  }
0x1a0: {  	s0 =	sadd.s32 @!p0 $0x100000, s0  }
0x1a1: {  	[sflag:s0] =	ssyncadd.tile.s32 @!p0 $0x1;
	_ =	shalt  }
.Lfunc_end2:
_tile_overlayer_lowered:
.L_overlay_start_2:
0x1a2: {  	(tag) =	ssettag $0x2  }
0x1a3: {  	s0 =	rddreg [dreg:$0x0];
	s2 =	stileid.u32  }
0x1a4: {  	s1 =	rddreg [dreg:$0x1];
	p0 =	sne.s32 s2, $0x0  }
0x1a5: {  	s3 =	rddreg [dreg:$0x2];
	[bflag:$0x3] =	sbarrier.arrive $0xFFFF;
	s2 =	simm.s32 @!p0 $0x1C03  }
0x1a6: {  	[timem:s3], [sflag:s2] =	dma.local @!p0 [hbm:s0], s1  }
0x1a7: {  	s0 =	simm.s32 @!p0 $0x3  }
0x1a8: {  	_ =	swait.ge @!p0 [sflag:s0], s1  }
0x1a9: {  	s1 =	ssub.s32 @!p0 $0x0, s1;
	[sflag:s0] =	ssyncset.done @!p0 $0x0  }
0x1aa: {  	[sflag:s0] =	ssyncadd.s32 @!p0 s1  }
0x1ab: {  	[bflag:$0x3] =	sbarrier.arrive $0xFFFF  }
0x1ac: {  	_ =	shalt  }

// kernel: sparse-core-data-format-call.cloned.1.call-start
scs
called_computation_lowered:
.L_overlay_start_0:
0x0: {  	s2 =	sld [smem:$0x3FD9]  }
0x1: {  	s3 =	sld [smem:$0x3FFE];
	_ =	sdelay $0x1  }
0x2: {  	s1 =	srdreg.scid  }
0x3: {  	s0 =	sand.u32 $0x1, s1  }
0x4: {  	s18 =	sshll.u32 s0, $0xA;
	s2 =	sadd.s32 s3, s2  }
0x5: {  	s2 =	sadd.s32 s2, s18  }
0x6: {  	[smem:$0x3FC4] =	sst s2  }
0x7: {  	_ = 	snop  }
0x8: {  	s2 =	sld [smem:$0x3FD0];
	(tm) =	ssettm $0x1  }
0x9: {  	s19 =	sld [smem:$0x3FFB];
	_ =	sdelay $0x3  }
0xa: {  	_ =	strace s19  }
0xb: {  	s3 =	sld [smem:$0x3FFC];
	_ =	sdelay $0x3  }
0xc: {  	_ =	strace s3  }
0xd: {  	s3 =	sld [smem:$0x3FFD];
	_ =	sdelay $0x3  }
0xe: {  	_ =	strace s3  }
0xf: {  	_ =	strace $0x8FFFFFFF  }
0x10: {  	s20 =	sld [smem:$0x3FDB];
	_ =	sdelay $0x1  }
0x11: {  	s4 =	simm.s32 $_scs_section_size  }
0x12: {  	s5 =	simm.s32 $_size__tile_overlayer_lowered;
	s6 =	simm.s32 $_tile_overlayer_lowered  }
0x13: {  	s23 =	simm.s32 $0x1BFF;
	s22 =	sshll.u32 s6, $0x1;
	s3 =	sadd.s32 s4, s20  }
0x14: {  	s7 =	simm.s32 $0x0;
	s21 =	sshll.u32 s5, $0x1;
	s5 =	sadd.s32 s22, s3  }
0x15: {  	[timem:s7], [sflag:s23] =	dma.local [hbm:s5], s21  }
0x16: {  	_ =	swait.ge [sflag:s23], s21  }
0x17: {  	s4 =	ssub.s32 $0x0, s21;
	[sflag:s23] =	ssyncset.done $0x0  }
0x18: {  	[sflag:s23] =	ssyncadd.s32 s4;
	_ =	sdelay $0x1  }
0x19: {  	s24 =	simm.s32 $0x1B8B  }
0x1a: {  	_ =	swait.ge [sflag:s24], $0x1  }
0x1b: {  	[sflag:s24] =	ssyncset.done $0x0  }
0x1c: {  	s26 =	simm.s32 $0x1B8E;
	s25 =	sld [smem:$0x3FFE];
	[sflag:s24] =	ssyncadd.s32 $0xFFFFFFFF  }
0x1d: {  	s27 =	simm.s32 $execute0_lowered;
	[smem:$0x3FD2] =	sst s26  }
0x1e: {  	s5 =	sshll.u32 s27, $0x1;
	_ =	strace $0x80000049;
	[dreg:$0x1] =	wrdreg $0xFFFFFFFF  }
0x1f: {  	s28 =	simm.s32 $_size_execute0_lowered;
	s3 =	sadd.s32 s3, s5;
	[dreg:$0x0] =	wrdreg $0x0  }
0x20: {  	s5 =	sshll.u32 s28, $0x1;
	[dreg:$0x2] =	wrdreg s3  }
0x21: {  	[dreg:$0x3] =	wrdreg s5  }
0x22: {  	[dreg:$0x4] =	wrdreg $0xC0  }
0x23: {  	_ =	task [dreg:s7], $0x5FFFF  }
0x24: {  	[dreg:$0x1] =	wrdreg $0xFFFFFFFF  }
0x25: {  	[dreg:$0x0] =	wrdreg $0x60  }
0x26: {  	[dreg:$0x2] =	wrdreg s25  }
0x27: {  	[dreg:$0x3] =	wrdreg s2  }
0x28: {  	[dreg:$0x4] =	wrdreg $0x9  }
0x29: {  	_ =	task.clear_ibuf [dreg:s7], $0x5FFFF;
	_ =	strace $0x90000049  }
0x2a: {  	s29 =	simm.s32 $0x9;
	_ =	strace $0x8000004B  }
0x2b: {  	_ =	swait.ge [sflag:s29], $0x1  }
0x2c: {  	[sflag:s29] =	ssyncadd.s32 $0xFFFFFFFF  }
0x2d: {  	_ =	strace $0x9000004B  }
0x2e: {  	_ =	sfence  }
0x2f: {  	s30 =	sld [smem:$0x0];
	_ =	sdelay $0x2  }
0x30: {  	s31 =	sshll.u32 s1, $0xD;
	s1 =	sshrl.u32 s1, $0x2  }
0x31: {  	s3 =	sand.u32 $0x4000, s31;
	s1 =	sadd.s32 s1, s30  }
0x32: {  	s0 =	sor.u32 s3, s0;
	s1 =	sshll.u32 s1, $0x11  }
0x33: {  	s0 =	sor.u32 s1, s0  }
0x34: {  	s0 =	sadd.s32 $0x8F2B, s0  }
0x35: {  	[sflag:s0] =	ssyncadd.remote.s32 $0x1  }
0x36: {  	_ =	sfence.sel $0xFFFF  }
0x37: {  	[dreg:$0x0] =	wrdreg $0xFFFFFFFF;
	(pc) =	sbr.abs _section_cstart, $3  }
0x38: {  	[dreg:$0x1] =	wrdreg $0xFFFFFFFF  }
0x39: {  	_ =	task.clear_ibuf [dreg:s7], $0x2FFFF;
	_ =	strace $0x9FFFFFFF  }
0x3a: {  	(tm) =	ssettm $0x7FFFFFFF  }
0x3b: {  	_ =	shalt  }
tec
execute0_lowered:
.L_overlay_start_1:
0x0: {  	(tag) =	ssettag $0x1  }
0x1: {  	s0 =	stileid.u32  }
0x2: {  	s1 =	srdreg.scid;
	s2 =	sshll.u32 s0, $0x7  }
0x3: {  	s7 =	rddreg [dreg:$0x0];
	s3 =	sshll.u32 s1, $0x4;
	s1 =	sand.u32 $0x380, s2  }
0x4: {  	s8 =	simm.s32 $0x2;
	s30 =	sand.u32 $0x10, s3;
	s31 =	ssub.s32 $0x400, s1  }
0x5: {  	s16 =	simm.s32 $0x0;
	s2 =	sor.u32 s0, s30;
	s4 =	sand.u32 $0x380, s31  }
0x6: {  	s2 =	sshrl.u32 s2, $0x3;
	p0 =	sne.s32 s4, $0x0;
	s4 =	simm.s32 $0x1  }
0x7: {  	s3 =	sshrl.u32 s31, $0xA;
	s5 =	ssub.s32 $0x35, s2;
	s4 =	simm.s32 @!p0 $0x0  }
0x8: {  	s9 =	simm.s32 $0x1800;
	s5 =	sshrl.u32 s5, $0x2;
	s3 =	sadd.s32 s4, s3  }
0x9: {  	s10 =	simm.s32 $0x0;
	s15 =	simm.s32 $0x0;
	s6 =	smul.u32 s3, s5  }
.Ltmp0:
0xa: {  	s17 =	simm.s32 $0x0;
	s4 =	rddreg [dreg:$0x1];
	(pc) =	sbr.rel .LBB1_1-.Ltmp0, $4  }
0xb: {  	s11 =	simm.s32 $0x0;
	s14 =	simm.s32 $0x0;
	s3 =	rddreg [dreg:$0x2]  }
0xc: {  	_ =	strace $0x8000004A;
	s5 =	simm.s32 $0x1;
	s6 =	smul.u32 $0x6, s6  }
0xd: {  	s7 =	sadd.s32 $0x5000, s7;
	s13 =	smov.u32 s1;
	[sflag:s5] =	ssyncpa.u1 $0x0  }
0xe: {  	s12 =	smov.u32 s2;
	[sflag:s8] =	ssyncpa.u1 $0x0;
	s8 =	sor.u32 $0x1, s6  }
.LBB1_4:
0xf: {  	_ =	sdelay $0x2  }
0x10: {  	s21 =	sshrl.u32 s17, $0x3  }
0x11: {  	[tilespmem:v0+s20+$0xFFFFFFD0 ss:$0x1] =	vst.idx.msk $0xffff, v7;
	s22 =	sshll.u32 s16, $0x3;
	s21 =	smul.u32 $0x1800, s21  }
0x12: {  	v56 =	vld.idx.msk [tilespmem:v1+s19+$0x0 ss:$0x1], $0xffff;
	[tilespmem:v0+s20+$0xFFFFFFE0 ss:$0x1] =	vst.idx.msk $0xffff, v5;
	s27 =	sshll.u32 s17, $0x7;
	s22 =	sand.u32 $0xFFFFFC00, s22  }
0x13: {  	v57 =	vld.idx.msk [tilespmem:v1+s19+$0xFFFFFF90 ss:$0x1], $0xffff;
	[tilespmem:v0+s20+$0xFFFFFFF0 ss:$0x1] =	vst.idx.msk $0xffff, v4;
	s17 =	sand.u32 $0x380, s27;
	s21 =	sadd.s32 s21, s22  }
0x14: {  	v58 =	vld.idx.msk [tilespmem:v1+s19+$0xFFFFFFA0 ss:$0x1], $0xffff;
	[tilespmem:v0+s20+$0x0 ss:$0x1] =	vst.idx.msk $0xffff, v2;
	s28 =	sand.u32 $0x7F, s16;
	s17 =	sor.u32 s17, s21  }
0x15: {  	v59 =	vld.idx.msk [tilespmem:v1+s19+$0xFFFFFFB0 ss:$0x1], $0xffff;
	[tilespmem:v0+s20+$0x10 ss:$0x1] =	vst.idx.msk $0xffff, v3;
	s16 =	sor.u32 s28, s17  }
0x16: {  	v60 =	vld.idx.msk [tilespmem:v1+s19+$0xFFFFFFC0 ss:$0x1], $0xffff;
	[tilespmem:v0+s20+$0x20 ss:$0x1] =	vst.idx.msk $0xffff, v6;
	s29 =	smulhi.u32 $0xAAAAAAAB, s16  }
0x17: {  	v61 =	vld.idx.msk [tilespmem:v1+s19+$0xFFFFFFD0 ss:$0x1], $0xffff;
	[tilespmem:v0+s19+$0x30 ss:$0x1] =	vst.idx.msk $0xffff, v56;
	s17 =	smulhi.u32 $0xAAAAAAAB, s17  }
0x18: {  	v62 =	vld.idx.msk [tilespmem:v1+s19+$0xFFFFFFE0 ss:$0x1], $0xffff;
	[tilespmem:v0+s19+$0xFFFFFFC0 ss:$0x1] =	vst.idx.msk $0xffff, v57;
	s20 =	sshrl.u32 s29, $0x9  }
0x19: {  	v63 =	vld.idx.msk [tilespmem:v1+s19+$0xFFFFFFF0 ss:$0x1], $0xffff;
	[tilespmem:v0+s19+$0xFFFFFFD0 ss:$0x1] =	vst.idx.msk $0xffff, v58;
	s17 =	sshrl.u32 s17, $0x9;
	s20 =	smul.u32 $0x300, s20  }
0x1a: {  	s15 =	smul.u32 $0x18000, s15;
	[tilespmem:v0+s19+$0xFFFFFFE0 ss:$0x1] =	vst.idx.msk $0xffff, v59;
	s17 =	sand.u32 $0x3FF, s17  }
0x1b: {  	[tilespmem:v0+s19+$0xFFFFFFF0 ss:$0x1] =	vst.idx.msk $0xffff, v60;
	s17 =	smul.u32 $0x60, s17;
	s16 =	ssub.s32 s16, s20  }
0x1c: {  	s15 =	sadd.s32 s4, s15;
	[tilespmem:v0+s19+$0x0 ss:$0x1] =	vst.idx.msk $0xffff, v61;
	s20 =	sand.u32 $0x7, s16  }
0x1d: {  	[tilespmem:v0+s19+$0x10 ss:$0x1] =	vst.idx.msk $0xffff, v62;
	s15 =	sadd.s32 s17, s15;
	s16 =	sshrl.u32 s16, $0x3;
	s30 =	sshll.u32 s20, $0x12  }
0x1e: {  	[tilespmem:v0+s19+$0x20 ss:$0x1] =	vst.idx.msk $0xffff, v63;
	s15 =	sadd.s32 s16, s15;
	s31 =	sor.u32 $0x400, s30  }
0x1f: {  	[hbm4b:s15+s31] =	stream.strided.scatter [tilespmem:s18], [sflag:$0x2], $0x4000, s9, s31, $0x38;
	[tilespmem:$0x10000] =	vst v63  }
.LBB1_5:
0x20: {  	s18 =	sadd.s32 $0x80, s11  }
0x21: {  	s15 =	sadd.s32 $0x4, s12;
	s19 =	smov.u32 s12;
	p1 =	sgt.s32 s18, $0x2FF  }
0x22: {  	s19 =	smov.u32 @p1 s15  }
0x23: {  	s21 =	smov.u32 s13;
	s15 =	sadd.s32 $0x400, s13;
	p2 =	sgt.s32 s19, $0x31  }
0x24: {  	s21 =	smov.u32 @p2 s15  }
0x25: {  	s18 =	simm.s32 @p1 $0x0;
	p1 =	sgt.s32 s21, $0x3FF  }
0x26: {  	p0 =	slt.u32 s14, $0x2;
	s21 =	smov.u32 @p1 s1;
	p1 =	sne.s32 s14, s8  }
.Ltmp1:
0x27: {  	s20 =	simm.s32 @!p0 $0x2;
	(pc) =	sbr.rel @!p1 .LBB1_6-.Ltmp1, $4  }
0x28: {  	s16 =	smov.u32 s11;
	s17 =	smov.u32 s13;
	_ =	swait.ge @!p0 [sflag:s20], $0x4000  }
0x29: {  	s10 =	sadd.s32 $0x4000, s10;
	[sflag:s20] =	ssyncset.done @!p0 $0x0;
	s11 =	smov.u32 s18  }
0x2a: {  	s19 =	smov.u32 @p2 s2;
	s15 =	smov.u32 s12;
	[sflag:s20] =	ssyncadd.s32 @!p0 $0xFFFFC000  }
0x2b: {  	s12 =	smov.u32 s19;
	s14 =	sadd.s32 $0x1, s14;
	s13 =	smov.u32 s21  }
.LBB1_1:
0x2c: {  	p0 =	sge.u32 s14, s6  }
0x2d: {  	s18 =	sshrl.u32 @!p0 s12, $0x3  }
0x2e: {  	s19 =	sshll.u32 @!p0 s11, $0x3;
	s18 =	smul.u32 @!p0 $0x1800, s18  }
0x2f: {  	s20 =	sshll.u32 @!p0 s12, $0x7;
	s19 =	sand.u32 @!p0 $0xFFFFFC00, s19  }
0x30: {  	s18 =	sadd.s32 @!p0 s18, s19;
	s19 =	sand.u32 @!p0 $0x380, s20  }
0x31: {  	s18 =	sor.u32 @!p0 s19, s18  }
0x32: {  	s19 =	sand.u32 @!p0 $0x7F, s11;
	s20 =	smulhi.u32 @!p0 $0xAAAAAAAB, s18  }
0x33: {  	s18 =	sor.u32 @!p0 s19, s18  }
0x34: {  	s19 =	smulhi.u32 @!p0 $0xAAAAAAAB, s18;
	s20 =	sshrl.u32 @!p0 s20, $0x9  }
0x35: {  	s21 =	smulhi.u32 @!p0 $0x4924925, s20;
	_ =	sdelay $0x1  }
0x36: {  	s19 =	sshrl.u32 @!p0 s19, $0x9;
	s21 =	smul.u32 @!p0 $0x38, s21  }
0x37: {  	s31 =	sadd.s32 $0xFFFFFFFF, s14;
	s19 =	smul.u32 @!p0 $0x300, s19  }
0x38: {  	s22 =	sxor.u32 @!p0 $0xFFFFFFFF, s14;
	s20 =	ssub.s32 @!p0 s20, s21;
	s21 =	smul.u32 @!p0 $0x1500, s13  }
0x39: {  	s22 =	sshll.u32 @!p0 s22, $0xE;
	s18 =	ssub.s32 @!p0 s18, s19;
	s19 =	smul.u32 @!p0 $0x60, s20  }
0x3a: {  	s20 =	sand.u32 @!p0 $0x4000, s22;
	s22 =	sand.u32 @!p0 $0x7, s18;
	s21 =	sadd.s32 @!p0 s7, s21  }
0x3b: {  	s18 =	sshrl.u32 @!p0 s18, $0x3;
	s19 =	sadd.s32 @!p0 s19, s21;
	s21 =	sshll.u32 @!p0 s22, $0x12  }
0x3c: {  	s18 =	sadd.s32 @!p0 s18, s19;
	s19 =	sor.u32 @!p0 $0x80, s21;
	s21 =	simm.s32 @!p0 $0xA800  }
0x3d: {  	[tilespmem:s20], [sflag:$0x1] =	stream.strided.gather @!p0 [hbm4b:s18+s19], $0x4000, s21, s19, $0x38;
	[tilespmem:$0x10000] =	vst v63  }
0x3e: {  	p0 =	sge.u32 s31, s6  }
.Ltmp2:
0x3f: {  	_ = 	snop;
	(pc) =	sbr.rel @p0 .LBB1_5-.Ltmp2, $1  }
0x40: {  	_ =	sdelay $0x3  }
0x41: {  	s18 =	sand.u32 $0x4000, s10  }
0x42: {  	s19 =	sor.u32 $0x70, s18  }
0x43: {  	v1 =	vmov s19;
	_ =	sdelay $0x1  }
0x44: {  	_ =	swait.ge [sflag:s5], $0x4000  }
0x45: {  	[sflag:s5] =	ssyncset.done $0x0  }
0x46: {  	s20 =	simm.s32 $0x0;
	[sflag:s5] =	ssyncadd.s32 $0xFFFFC000  }
0x47: {  	s18 =	sor.u32 $0x8040, s18;
	v6 =	vld.idx.msk [tilespmem:v1+s20+$0x0 ss:$0x1], $0xffff  }
0x48: {  	v0 =	vmov s18;
	v8 =	vld.idx.msk [tilespmem:v1+s20+$0xFFFFFF90 ss:$0x1], $0xffff  }
0x49: {  	v7 =	vld.idx.msk [tilespmem:v1+s20+$0xFFFFFFA0 ss:$0x1], $0xffff  }
0x4a: {  	v5 =	vld.idx.msk [tilespmem:v1+s20+$0xFFFFFFB0 ss:$0x1], $0xffff  }
0x4b: {  	v4 =	vld.idx.msk [tilespmem:v1+s20+$0xFFFFFFC0 ss:$0x1], $0xffff  }
0x4c: {  	s31 =	sshll.u32 s14, $0xE;
	v2 =	vld.idx.msk [tilespmem:v1+s20+$0xFFFFFFD0 ss:$0x1], $0xffff  }
0x4d: {  	s18 =	sand.u32 $0x4000, s31;
	v3 =	vld.idx.msk [tilespmem:v1+s20+$0xFFFFFFE0 ss:$0x1], $0xffff;
	[tilespmem:v0+s20+$0x30 ss:$0x1] =	vst.idx.msk $0xffff, v6  }
0x4e: {  	s21 =	simm.s32 $0x400;
	s19 =	simm.s32 $0x80;
	s18 =	sor.u32 $0x8000, s18;
	[tilespmem:v0+s20+$0xFFFFFFC0 ss:$0x1] =	vst.idx.msk $0xffff, v8;
	v6 =	vld.idx.msk [tilespmem:v1+s20+$0xFFFFFFF0 ss:$0x1], $0xffff  }
.LBB1_3:
0x4f: {  	p0 =	sne.s32 s21, $0xFE00;
	v8 =	vld.idx.msk [tilespmem:v1+s19+$0x0 ss:$0x1], $0xffff;
	[tilespmem:v0+s20+$0xFFFFFFD0 ss:$0x1] =	vst.idx.msk $0xffff, v7  }
0x50: {  	v9 =	vld.idx.msk [tilespmem:v1+s19+$0xFFFFFF90 ss:$0x1], $0xffff;
	[tilespmem:v0+s20+$0xFFFFFFE0 ss:$0x1] =	vst.idx.msk $0xffff, v5  }
0x51: {  	v7 =	vld.idx.msk [tilespmem:v1+s19+$0xFFFFFFA0 ss:$0x1], $0xffff;
	[tilespmem:v0+s20+$0xFFFFFFF0 ss:$0x1] =	vst.idx.msk $0xffff, v4  }
.Ltmp3:
0x52: {  	v5 =	vld.idx.msk [tilespmem:v1+s19+$0xFFFFFFB0 ss:$0x1], $0xffff;
	[tilespmem:v0+s20+$0x0 ss:$0x1] =	vst.idx.msk $0xffff, v2;
	(pc) =	sbr.rel @p0 .LBB1_3-.Ltmp3, $4  }
0x53: {  	v4 =	vld.idx.msk [tilespmem:v1+s19+$0xFFFFFFC0 ss:$0x1], $0xffff;
	[tilespmem:v0+s20+$0x10 ss:$0x1] =	vst.idx.msk $0xffff, v3  }
0x54: {  	v2 =	vld.idx.msk [tilespmem:v1+s19+$0xFFFFFFD0 ss:$0x1], $0xffff;
	[tilespmem:v0+s20+$0x20 ss:$0x1] =	vst.idx.msk $0xffff, v6;
	s20 =	smov.u32 s19  }
0x55: {  	v3 =	vld.idx.msk [tilespmem:v1+s20+$0xFFFFFFE0 ss:$0x1], $0xffff;
	[tilespmem:v0+s20+$0x30 ss:$0x1] =	vst.idx.msk $0xffff, v8  }
0x56: {  	s19 =	sshra.s32 s21, $0x2;
	s21 =	sadd.s32 $0x200, s21;
	[tilespmem:v0+s20+$0xFFFFFFC0 ss:$0x1] =	vst.idx.msk $0xffff, v9;
	v6 =	vld.idx.msk [tilespmem:v1+s20+$0xFFFFFFF0 ss:$0x1], $0xffff  }
.Ltmp4:
0x57: {  	_ = 	snop;
	(pc) =	sbr.rel .LBB1_4-.Ltmp4, $1  }
0x58: {  	_ =	sdelay $0x3  }
.LBB1_6:
0x59: {  	_ =	sfence.sel $0x180000  }
0x5a: {  	s1 =	simm.s32 $0x1;
	[bflag:$0x0] =	sbarrier.arrive $0xFFFF  }
0x5b: {  	s31 =	simm.s32 $0x2;
	[sflag:s1] =	ssyncpa.u1 $0x1  }
0x5c: {  	[sflag:s31] =	ssyncpa.u1 $0x1  }
0x5d: {  	p0 =	sne.s32 s0, $0x0;
	_ =	strace $0x9000004A  }
0x5e: {  	s0 =	sadd.s32 @!p0 $0x100000, s3;
	[bflag:$0x2] =	sbarrier.arrive $0xFFFF  }
0x5f: {  	[sflag:s0] =	ssyncadd.tile.s32 @!p0 $0x1;
	_ =	shalt  }
.Lfunc_end1:
_tile_overlayer_lowered:
.L_overlay_start_2:
0x60: {  	(tag) =	ssettag $0x2  }
0x61: {  	s0 =	rddreg [dreg:$0x0];
	s2 =	stileid.u32  }
0x62: {  	s1 =	rddreg [dreg:$0x1];
	p0 =	sne.s32 s2, $0x0  }
0x63: {  	s3 =	rddreg [dreg:$0x2];
	[bflag:$0x3] =	sbarrier.arrive $0xFFFF;
	s2 =	simm.s32 @!p0 $0x1C01  }
0x64: {  	[timem:s3], [sflag:s2] =	dma.local @!p0 [hbm:s0], s1  }
0x65: {  	s0 =	simm.s32 @!p0 $0x1  }
0x66: {  	_ =	swait.ge @!p0 [sflag:s0], s1  }
0x67: {  	s1 =	ssub.s32 @!p0 $0x0, s1;
	[sflag:s0] =	ssyncset.done @!p0 $0x0  }
0x68: {  	[sflag:s0] =	ssyncadd.s32 @!p0 s1  }
0x69: {  	[bflag:$0x3] =	sbarrier.arrive $0xFFFF  }
0x6a: {  	_ =	shalt  }

</sc_bundles>
